<compile_context>
chip_gen: v7x
topology: tpu7x:2x2x1
jax: 0.10.2.dev20260603
libtpu: 0.0.44.dev20260713+nightly
codegen_flags: <defaults>
</compile_context>

<pallas_src>
import jax
import jax.numpy as jnp
import numpy as np
from jax.experimental import pallas as pl
from jax.experimental.pallas import tpu as pltpu

H = 224
W = 224
N = H * W
C = 96
HEADS = 8
D = 12
G = C // 16
TN = 7168
P = 512
RB = TN // P
NB = N // P
TPB = N // TN
TNE = TN + 2 * P

WA = TN + 2 * 256
AO = P - 256
WS = TN + 2 * 128
VO = P - 128

OFFSETS = [(dr, dc) for dr in (-1, 0, 1) for dc in (-1, 0, 1)]
NEG = -1e30

_PERM = np.array([(cp % HEADS) * D + cp // HEADS for cp in range(C)])
_IPERM = np.array([(c % D) * HEADS + c // D for c in range(C)])


def _gat_grid_kernel(xl_ref, xc_ref, xr_ref, wt_ref, asrc_ref, adst_ref,
                     bias_ref, lnw_ref, lnb_ref, out_ref):
    i = pl.program_id(1)
    j0 = i * TN

    x_ext = jnp.concatenate([xl_ref[0], xc_ref[0], xr_ref[0]], axis=1)
    xw_ext = jnp.dot(wt_ref[:], x_ext.astype(jnp.bfloat16),
                     preferred_element_type=jnp.float32)
    s_ext = jnp.dot(asrc_ref[:], xw_ext, preferred_element_type=jnp.float32)
    t = jnp.dot(adst_ref[:], xw_ext[:, AO:AO + WA],
                preferred_element_type=jnp.float32)

    idxa = jax.lax.broadcasted_iota(jnp.int32, (1, WA), 1) + (j0 - 256 + 448)
    r = idxa // W - 2
    c = idxa % W

    a_list = []
    m = jnp.full((HEADS, WA), NEG, jnp.float32)
    for dr, dc in OFFSETS:
        delta = dr * W + dc
        sk = s_ext[:, AO - delta:AO - delta + WA]
        z = sk + t
        a = jnp.where(z >= 0, z, 0.2 * z)
        if dr != 0 or dc != 0:
            mask = None
            if dr != 0:
                rs = r - dr
                mask = (rs >= 0) & (rs < H)
            if dc != 0:
                cs = c - dc
                mc = (cs >= 0) & (cs < W)
                mask = mc if mask is None else (mask & mc)
            a = jnp.where(mask, a, NEG)
        a_list.append(a)
        m = jnp.maximum(m, a)

    den = jnp.zeros((HEADS, WA), jnp.float32)
    e_all = {}
    for (dr, dc), a in zip(OFFSETS, a_list):
        e = jnp.exp(a - m)
        if dr == 0 and dc == 0:
            e = e * 2.0
        e_all[(dr, dc)] = e
        den = den + e
    inv = 1.0 / (den + 1e-16)

    xwb = xw_ext.astype(jnp.bfloat16).reshape(G, 16, TNE)
    xrow = {dr: xwb[:, :, VO - dr * W:VO - dr * W + WS] for dr in (-1, 0, 1)}

    acc = None
    for dc in (-1, 0, 1):
        v = None
        for dr in (-1, 0, 1):
            wp = ((e_all[(dr, dc)] * inv)[:, 128 + dc:128 + dc + WS]
                  ).astype(jnp.bfloat16)
            w16 = jnp.concatenate([wp, wp], axis=0)[None, :, :]
            term = w16 * xrow[dr]
            v = term if v is None else v + term
        vc = v[:, :, 128 - dc:128 - dc + TN]
        acc = vc if acc is None else acc + vc

    o = acc.reshape(C, TN).astype(jnp.float32) + bias_ref[:]
    o = jnp.where(o > 0, o, jnp.exp(o) - 1.0)
    mu = jnp.mean(o, axis=0, keepdims=True)
    m2 = jnp.mean(o * o, axis=0, keepdims=True)
    isd = jax.lax.rsqrt(m2 - mu * mu + 1e-5)
    nmu = -mu * isd
    o = o * isd + nmu
    o = o * lnw_ref[:] + lnb_ref[:]
    out_ref[0] = o


def kernel(x, Wlin, att_src, att_dst, bias, ln_w, ln_b):
    B = x.shape[0]
    x3 = x.reshape(B, C, N)
    perm = jnp.asarray(_PERM)
    wt = Wlin.T[perm, :].astype(jnp.bfloat16)
    eye = jnp.eye(HEADS, dtype=jnp.float32)
    a_src = (att_src[:, None, :] * eye[:, :, None]).reshape(HEADS, C)
    a_dst = (att_dst[:, None, :] * eye[:, :, None]).reshape(HEADS, C)
    a_src = a_src[:, perm]
    a_dst = a_dst[:, perm]

    out = pl.pallas_call(
        _gat_grid_kernel,
        grid=(B, TPB),
        in_specs=[
            pl.BlockSpec((1, C, P),
                         lambda b, i: (b, 0, jnp.maximum(i * RB - 1, 0))),
            pl.BlockSpec((1, C, TN), lambda b, i: (b, 0, i)),
            pl.BlockSpec((1, C, P),
                         lambda b, i: (b, 0, jnp.minimum(i * RB + RB, NB - 1))),
            pl.BlockSpec((C, C), lambda b, i: (0, 0)),
            pl.BlockSpec((HEADS, C), lambda b, i: (0, 0)),
            pl.BlockSpec((HEADS, C), lambda b, i: (0, 0)),
            pl.BlockSpec((C, 1), lambda b, i: (0, 0)),
            pl.BlockSpec((C, 1), lambda b, i: (0, 0)),
            pl.BlockSpec((C, 1), lambda b, i: (0, 0)),
        ],
        out_specs=pl.BlockSpec((1, C, TN), lambda b, i: (b, 0, i)),
        out_shape=jax.ShapeDtypeStruct((B, C, N), jnp.float32),
        compiler_params=pltpu.CompilerParams(
            dimension_semantics=("parallel", "parallel")),
    )(x3, x3, x3, wt, a_src, a_dst,
      bias[perm].reshape(C, 1), ln_w[perm].reshape(C, 1),
      ln_b[perm].reshape(C, 1))
    return (out.reshape(B, D, HEADS, N).transpose(0, 2, 1, 3)
            .reshape(B, C, H, W))

# --- scband reference (transcript-rebuilt; emitter-appended) ---
"""Pipeline reference for scband-gnn-85787676770672 (READ-ONLY COPY).

The authoritative reference and input builder live on the scoring server;
editing this copy changes nothing except your own understanding.
"""

import jax, jax.numpy as jnp
import numpy as np


def _build_batched_edges(B, H, W, add_self=True):
    # Faithful to GNN.build_grid_edge_index: 8-neighborhood INCLUDING (dr=0,dc=0),
    # then add_self_loops appends one extra self-edge per node.
    N = H * W
    rr, cc = np.meshgrid(np.arange(H), np.arange(W), indexing='ij')
    rows, cols = [], []
    for dr in (-1, 0, 1):
        for dc in (-1, 0, 1):
            nr, nc = rr + dr, cc + dc
            m = (nr >= 0) & (nr < H) & (nc >= 0) & (nc < W)
            rows.append((rr * W + cc)[m].ravel())
            cols.append((nr * W + nc)[m].ravel())
    rows = np.concatenate(rows)
    cols = np.concatenate(cols)
    if add_self:
        sl = np.arange(N)
        rows = np.concatenate([rows, sl])
        cols = np.concatenate([cols, sl])
    ei = np.stack([rows, cols]).astype(np.int64)  # [2, E] (row0=center/src, row1=neighbor/dst)
    E = ei.shape[1]
    eib = np.tile(ei, (1, B))
    offs = np.repeat(np.arange(B, dtype=np.int64) * N, E)
    eib = eib + offs[None, :]
    return jnp.asarray(eib)


def setup_inputs(seed: int = 0) -> dict:
    key = jax.random.key(seed)
    ks = jax.random.split(key, 4)
    B, C, H, W = 2, 96, 224, 224
    heads, d = 8, 12
    x = jax.random.normal(ks[0], (B, C, H, W), dtype=jnp.float32)
    Wlin = jax.random.normal(ks[1], (C, heads * d), dtype=jnp.float32) * (1.0 / np.sqrt(C))
    att_src = jax.random.normal(ks[2], (heads, d), dtype=jnp.float32) * 0.1
    att_dst = jax.random.normal(ks[3], (heads, d), dtype=jnp.float32) * 0.1
    bias = jnp.zeros((heads * d,), jnp.float32)
    ln_w = jnp.ones((C,), jnp.float32)
    ln_b = jnp.zeros((C,), jnp.float32)
    return {"x": x, "Wlin": Wlin, "att_src": att_src, "att_dst": att_dst,
            "bias": bias, "ln_w": ln_w, "ln_b": ln_b}


def reference(x, Wlin, att_src, att_dst, bias, ln_w, ln_b):
    B, C, H, W = x.shape
    N = H * W
    heads, d = att_src.shape
    ei = _build_batched_edges(B, H, W, True)
    src, dst = ei[0], ei[1]
    # x -> node features [B*N, C]
    xn = x.reshape(B, C, N).transpose(0, 2, 1).reshape(B * N, C)
    # GATConv (dropout in eval mode -> identity)
    xw = (xn @ Wlin).reshape(B * N, heads, d)
    a_s = (xw * att_src[None, :, :]).sum(-1)  # [B*N, heads]
    a_d = (xw * att_dst[None, :, :]).sum(-1)
    alpha = jax.nn.leaky_relu(a_s[src] + a_d[dst], 0.2)  # [E, heads]
    amax = jax.ops.segment_max(alpha, dst, num_segments=B * N)
    amax = jnp.where(jnp.isfinite(amax), amax, 0.0)
    ex = jnp.exp(alpha - amax[dst])
    den = jax.ops.segment_sum(ex, dst, num_segments=B * N)
    w_e = ex / (den[dst] + 1e-16)
    msg = xw[src] * w_e[:, :, None]  # [E, heads, d]
    out = jax.ops.segment_sum(msg, dst, num_segments=B * N)
    out = out.reshape(B * N, heads * d) + bias
    out = jax.nn.elu(out)
    seq = out.reshape(B, N, C)
    mu = seq.mean(-1, keepdims=True)
    var = seq.var(-1, keepdims=True)
    nrm = (seq - mu) / jnp.sqrt(var + 1e-5) * ln_w + ln_b
    return nrm.transpose(0, 2, 1).reshape(B, C, H, W)

if __name__ == "__main__":
    import jax
    _d = setup_inputs()
    print(jax.jit(kernel)(*tuple(_d.values())))

</pallas_src>

<mosaic_0001>
module attributes {stable_mosaic.version = 14 : i64} {
  func.func @_gat_grid_kernel(%arg0: i32, %arg1: i32, %arg2: memref<1x96x512xf32, #tpu.memory_space<vmem>>, %arg3: memref<1x96x7168xf32, #tpu.memory_space<vmem>>, %arg4: memref<1x96x512xf32, #tpu.memory_space<vmem>>, %arg5: memref<96x96xbf16, #tpu.memory_space<vmem>>, %arg6: memref<8x96xf32, #tpu.memory_space<vmem>>, %arg7: memref<8x96xf32, #tpu.memory_space<vmem>>, %arg8: memref<96x1xf32, #tpu.memory_space<vmem>>, %arg9: memref<96x1xf32, #tpu.memory_space<vmem>>, %arg10: memref<96x1xf32, #tpu.memory_space<vmem>>, %arg11: memref<1x96x7168xf32, #tpu.memory_space<vmem>>) attributes {dimension_semantics = [#tpu.dimension_semantics<parallel>, #tpu.dimension_semantics<parallel>], iteration_bounds = array<i64: 2, 7>, scalar_prefetch = 0 : i64, scratch_operands = 0 : i64, tpu.core_type = #tpu.core_type<tc>, window_params = [{transform_indices = @transform_0, window_bounds = array<i64: 1, 96, 512>}, {transform_indices = @transform_1, window_bounds = array<i64: 1, 96, 7168>}, {transform_indices = @transform_2, window_bounds = array<i64: 1, 96, 512>}, {pipeline_mode = #tpu.pipeline_mode<synchronous>, transform_indices = @transform_3, window_bounds = array<i64: 96, 96>}, {pipeline_mode = #tpu.pipeline_mode<synchronous>, transform_indices = @transform_4, window_bounds = array<i64: 8, 96>}, {pipeline_mode = #tpu.pipeline_mode<synchronous>, transform_indices = @transform_5, window_bounds = array<i64: 8, 96>}, {pipeline_mode = #tpu.pipeline_mode<synchronous>, transform_indices = @transform_6, window_bounds = array<i64: 96, 1>}, {pipeline_mode = #tpu.pipeline_mode<synchronous>, transform_indices = @transform_7, window_bounds = array<i64: 96, 1>}, {pipeline_mode = #tpu.pipeline_mode<synchronous>, transform_indices = @transform_8, window_bounds = array<i64: 96, 1>}, {transform_indices = @transform_9, window_bounds = array<i64: 1, 96, 7168>}]} {
    %mul3A = arith.constant 7168 : i32
    %mul3A_0 = arith.muli %arg1, %mul3A : i32
    %get3A = arith.constant 0 : index
    %get3A_1 = arith.constant 0 : index
    %get3A_2 = arith.constant 0 : index
    %get3A_3 = vector.load %arg2[%get3A, %get3A_1, %get3A_2] : memref<1x96x512xf32, #tpu.memory_space<vmem>>, vector<1x96x512xf32>
    %get3A_4 = vector.shape_cast %get3A_3 : vector<1x96x512xf32> to vector<96x512xf32>
    %get3A_5 = arith.constant 0 : index
    %get3A_6 = arith.constant 0 : index
    %get3A_7 = arith.constant 0 : index
    %get3A_8 = vector.load %arg3[%get3A_5, %get3A_6, %get3A_7] : memref<1x96x7168xf32, #tpu.memory_space<vmem>>, vector<1x96x7168xf32>
    %get3A_9 = vector.shape_cast %get3A_8 : vector<1x96x7168xf32> to vector<96x7168xf32>
    %get3A_10 = arith.constant 0 : index
    %get3A_11 = arith.constant 0 : index
    %get3A_12 = arith.constant 0 : index
    %get3A_13 = vector.load %arg4[%get3A_10, %get3A_11, %get3A_12] : memref<1x96x512xf32, #tpu.memory_space<vmem>>, vector<1x96x512xf32>
    %get3A_14 = vector.shape_cast %get3A_13 : vector<1x96x512xf32> to vector<96x512xf32>
    %concatenate3A = tpu.concatenate %get3A_4, %get3A_9, %get3A_14 in 1 : vector<96x512xf32>, vector<96x7168xf32>, vector<96x512xf32> -> vector<96x8192xf32>
    %get3A_15 = arith.constant 0 : index
    %get3A_16 = arith.constant 0 : index
    %get3A_17 = vector.load %arg5[%get3A_15, %get3A_16] : memref<96x96xbf16, #tpu.memory_space<vmem>>, vector<96x96xbf16>
    %convert_element_type3A = arith.truncf %concatenate3A : vector<96x8192xf32> to vector<96x8192xbf16>
    %dot_general3A = arith.constant dense<0.000000e+00> : vector<96x8192xf32>
    %dot_general3A_18 = tpu.matmul %get3A_17, %convert_element_type3A, %dot_general3A {dimension_numbers = #tpu.dot_dimension_numbers<[1], [0], [0], [1], [0, 0, 1, 1], [], []>, transpose_lhs_hint = false} : vector<96x96xbf16>, vector<96x8192xbf16>, vector<96x8192xf32> -> vector<96x8192xf32>
    %get3A_19 = arith.constant 0 : index
    %get3A_20 = arith.constant 0 : index
    %get3A_21 = vector.load %arg6[%get3A_19, %get3A_20] : memref<8x96xf32, #tpu.memory_space<vmem>>, vector<8x96xf32>
    %dot_general3A_22 = arith.constant dense<0.000000e+00> : vector<8x8192xf32>
    %dot_general3A_23 = tpu.matmul %get3A_21, %dot_general3A_18, %dot_general3A_22 {dimension_numbers = #tpu.dot_dimension_numbers<[1], [0], [0], [1], [0, 0, 1, 1], [], []>, transpose_lhs_hint = false} : vector<8x96xf32>, vector<96x8192xf32>, vector<8x8192xf32> -> vector<8x8192xf32>
    %get3A_24 = arith.constant 0 : index
    %get3A_25 = arith.constant 0 : index
    %get3A_26 = vector.load %arg7[%get3A_24, %get3A_25] : memref<8x96xf32, #tpu.memory_space<vmem>>, vector<8x96xf32>
    %slice3A = vector.extract_strided_slice %dot_general3A_18 {offsets = [0, 256], sizes = [96, 7680], strides = [1, 1]} : vector<96x8192xf32> to vector<96x7680xf32>
    %dot_general3A_27 = arith.constant dense<0.000000e+00> : vector<8x7680xf32>
    %dot_general3A_28 = tpu.matmul %get3A_26, %slice3A, %dot_general3A_27 {dimension_numbers = #tpu.dot_dimension_numbers<[1], [0], [0], [1], [0, 0, 1, 1], [], []>, transpose_lhs_hint = false} : vector<8x96xf32>, vector<96x7680xf32>, vector<8x7680xf32> -> vector<8x7680xf32>
    %iota3A = tpu.iota {dimensions = array<i32: 1>} : vector<1x7680xi32>
    %sub3A = arith.constant 256 : i32
    %sub3A_29 = arith.subi %mul3A_0, %sub3A : i32
    %add3A = arith.constant 448 : i32
    %add3A_30 = arith.addi %sub3A_29, %add3A : i32
    %add3A_31 = vector.broadcast %add3A_30 : i32 to vector<1x7680xi32>
    %add3A_32 = arith.addi %iota3A, %add3A_31 : vector<1x7680xi32>
    %jit3A = arith.constant 224 : i32
    %div3A = vector.broadcast %jit3A : i32 to vector<1x7680xi32>
    %div3A_33 = arith.divsi %add3A_32, %div3A : vector<1x7680xi32>
    %sign3A = arith.constant 0 : i32
    %sign3A_34 = vector.broadcast %sign3A : i32 to vector<1x7680xi32>
    %sign3A_35 = arith.cmpi sgt, %add3A_32, %sign3A_34 : vector<1x7680xi32>
    %sign3A_36 = arith.extui %sign3A_35 : vector<1x7680xi1> to vector<1x7680xi32>
    %sign3A_37 = arith.constant 0 : i32
    %sign3A_38 = vector.broadcast %sign3A_37 : i32 to vector<1x7680xi32>
    %sign3A_39 = arith.cmpi slt, %add3A_32, %sign3A_38 : vector<1x7680xi32>
    %sign3A_40 = arith.extui %sign3A_39 : vector<1x7680xi1> to vector<1x7680xi32>
    %sign3A_41 = arith.subi %sign3A_36, %sign3A_40 : vector<1x7680xi32>
    %sign3A_42 = arith.constant 0 : i32
    %sign3A_43 = arith.cmpi sgt, %jit3A, %sign3A_42 : i32
    %sign3A_44 = arith.extui %sign3A_43 : i1 to i32
    %sign3A_45 = arith.constant 0 : i32
    %sign3A_46 = arith.cmpi slt, %jit3A, %sign3A_45 : i32
    %sign3A_47 = arith.extui %sign3A_46 : i1 to i32
    %sign3A_48 = arith.subi %sign3A_44, %sign3A_47 : i32
    %ne3A = vector.broadcast %sign3A_48 : i32 to vector<1x7680xi32>
    %ne3A_49 = arith.cmpi ne, %sign3A_41, %ne3A : vector<1x7680xi32>
    %rem3A = vector.broadcast %jit3A : i32 to vector<1x7680xi32>
    %rem3A_50 = arith.remsi %add3A_32, %rem3A : vector<1x7680xi32>
    %ne3A_51 = arith.constant 0 : i32
    %ne3A_52 = vector.broadcast %ne3A_51 : i32 to vector<1x7680xi32>
    %ne3A_53 = arith.cmpi ne, %rem3A_50, %ne3A_52 : vector<1x7680xi32>
    %and3A = arith.andi %ne3A_49, %ne3A_53 : vector<1x7680xi1>
    %sub3A_54 = arith.constant 1 : i32
    %sub3A_55 = vector.broadcast %sub3A_54 : i32 to vector<1x7680xi32>
    %sub3A_56 = arith.subi %div3A_33, %sub3A_55 : vector<1x7680xi32>
    %select_n3A = arith.select %and3A, %sub3A_56, %div3A_33 : vector<1x7680xi1>, vector<1x7680xi32>
    %sub3A_57 = arith.constant 2 : i32
    %sub3A_58 = vector.broadcast %sub3A_57 : i32 to vector<1x7680xi32>
    %sub3A_59 = arith.subi %select_n3A, %sub3A_58 : vector<1x7680xi32>
    %jit3A_60 = arith.constant 224 : i32
    %eq3A = arith.constant 0 : i32
    %eq3A_61 = arith.cmpi eq, %jit3A_60, %eq3A : i32
    %jit3A_62 = arith.constant 1 : i32
    %select_n3A_63 = arith.select %eq3A_61, %jit3A_62, %jit3A_60 : i32
    %rem3A_64 = vector.broadcast %select_n3A_63 : i32 to vector<1x7680xi32>
    %rem3A_65 = arith.remsi %add3A_32, %rem3A_64 : vector<1x7680xi32>
    %ne3A_66 = arith.constant 0 : i32
    %ne3A_67 = vector.broadcast %ne3A_66 : i32 to vector<1x7680xi32>
    %ne3A_68 = arith.cmpi ne, %rem3A_65, %ne3A_67 : vector<1x7680xi32>
    %lt3A = arith.constant 0 : i32
    %lt3A_69 = vector.broadcast %lt3A : i32 to vector<1x7680xi32>
    %lt3A_70 = arith.cmpi slt, %rem3A_65, %lt3A_69 : vector<1x7680xi32>
    %lt3A_71 = arith.constant 0 : i32
    %lt3A_72 = arith.cmpi slt, %select_n3A_63, %lt3A_71 : i32
    %ne3A_73 = vector.broadcast %lt3A_72 : i1 to vector<1x7680xi1>
    %ne3A_74 = vector.broadcast %ne3A_73 : vector<1x7680xi1> to vector<1x7680xi1>
    %ne3A_75 = arith.xori %lt3A_70, %ne3A_74 : vector<1x7680xi1>
    %and3A_76 = arith.andi %ne3A_75, %ne3A_68 : vector<1x7680xi1>
    %add3A_77 = vector.broadcast %select_n3A_63 : i32 to vector<1x7680xi32>
    %add3A_78 = arith.addi %rem3A_65, %add3A_77 : vector<1x7680xi32>
    %select_n3A_79 = arith.select %and3A_76, %add3A_78, %rem3A_65 : vector<1x7680xi1>, vector<1x7680xi32>
    %broadcast_in_dim3A = arith.constant -1.000000e+30 : f32
    %broadcast_in_dim3A_80 = vector.broadcast %broadcast_in_dim3A : f32 to vector<8x7680xf32>
    %slice3A_81 = vector.extract_strided_slice %dot_general3A_23 {offsets = [0, 481], sizes = [8, 7680], strides = [1, 1]} : vector<8x8192xf32> to vector<8x7680xf32>
    %add3A_82 = arith.addf %slice3A_81, %dot_general3A_28 : vector<8x7680xf32>
    %ge3A = arith.constant 0.000000e+00 : f32
    %ge3A_83 = vector.broadcast %ge3A : f32 to vector<8x7680xf32>
    %ge3A_84 = arith.cmpf oge, %add3A_82, %ge3A_83 : vector<8x7680xf32>
    %mul3A_85 = arith.constant 2.000000e-01 : f32
    %mul3A_86 = vector.broadcast %mul3A_85 : f32 to vector<8x7680xf32>
    %mul3A_87 = arith.mulf %mul3A_86, %add3A_82 : vector<8x7680xf32>
    %select_n3A_88 = arith.select %ge3A_84, %add3A_82, %mul3A_87 : vector<8x7680xi1>, vector<8x7680xf32>
    %sub3A_89 = arith.constant -1 : i32
    %sub3A_90 = vector.broadcast %sub3A_89 : i32 to vector<1x7680xi32>
    %sub3A_91 = arith.subi %sub3A_59, %sub3A_90 : vector<1x7680xi32>
    %ge3A_92 = arith.constant 0 : i32
    %ge3A_93 = vector.broadcast %ge3A_92 : i32 to vector<1x7680xi32>
    %ge3A_94 = arith.cmpi sge, %sub3A_91, %ge3A_93 : vector<1x7680xi32>
    %lt3A_95 = arith.constant 224 : i32
    %lt3A_96 = vector.broadcast %lt3A_95 : i32 to vector<1x7680xi32>
    %lt3A_97 = arith.cmpi slt, %sub3A_91, %lt3A_96 : vector<1x7680xi32>
    %and3A_98 = arith.andi %ge3A_94, %lt3A_97 : vector<1x7680xi1>
    %sub3A_99 = arith.constant -1 : i32
    %sub3A_100 = vector.broadcast %sub3A_99 : i32 to vector<1x7680xi32>
    %sub3A_101 = arith.subi %select_n3A_79, %sub3A_100 : vector<1x7680xi32>
    %ge3A_102 = arith.constant 0 : i32
    %ge3A_103 = vector.broadcast %ge3A_102 : i32 to vector<1x7680xi32>
    %ge3A_104 = arith.cmpi sge, %sub3A_101, %ge3A_103 : vector<1x7680xi32>
    %lt3A_105 = arith.constant 224 : i32
    %lt3A_106 = vector.broadcast %lt3A_105 : i32 to vector<1x7680xi32>
    %lt3A_107 = arith.cmpi slt, %sub3A_101, %lt3A_106 : vector<1x7680xi32>
    %and3A_108 = arith.andi %ge3A_104, %lt3A_107 : vector<1x7680xi1>
    %and3A_109 = arith.andi %and3A_98, %and3A_108 : vector<1x7680xi1>
    %jit3A_110 = arith.constant -1.000000e+30 : f32
    %broadcast_in_dim3A_111 = vector.shape_cast %and3A_109 : vector<1x7680xi1> to vector<1x7680xi1>
    %broadcast_in_dim3A_112 = vector.broadcast %broadcast_in_dim3A_111 : vector<1x7680xi1> to vector<8x7680xi1>
    %broadcast_in_dim3A_113 = vector.broadcast %jit3A_110 : f32 to vector<8x7680xf32>
    %select_n3A_114 = arith.select %broadcast_in_dim3A_112, %select_n3A_88, %broadcast_in_dim3A_113 : vector<8x7680xi1>, vector<8x7680xf32>
    %max3A = arith.maximumf %broadcast_in_dim3A_80, %select_n3A_114 : vector<8x7680xf32>
    %slice3A_115 = vector.extract_strided_slice %dot_general3A_23 {offsets = [0, 480], sizes = [8, 7680], strides = [1, 1]} : vector<8x8192xf32> to vector<8x7680xf32>
    %add3A_116 = arith.addf %slice3A_115, %dot_general3A_28 : vector<8x7680xf32>
    %ge3A_117 = arith.constant 0.000000e+00 : f32
    %ge3A_118 = vector.broadcast %ge3A_117 : f32 to vector<8x7680xf32>
    %ge3A_119 = arith.cmpf oge, %add3A_116, %ge3A_118 : vector<8x7680xf32>
    %mul3A_120 = arith.constant 2.000000e-01 : f32
    %mul3A_121 = vector.broadcast %mul3A_120 : f32 to vector<8x7680xf32>
    %mul3A_122 = arith.mulf %mul3A_121, %add3A_116 : vector<8x7680xf32>
    %select_n3A_123 = arith.select %ge3A_119, %add3A_116, %mul3A_122 : vector<8x7680xi1>, vector<8x7680xf32>
    %sub3A_124 = arith.constant -1 : i32
    %sub3A_125 = vector.broadcast %sub3A_124 : i32 to vector<1x7680xi32>
    %sub3A_126 = arith.subi %sub3A_59, %sub3A_125 : vector<1x7680xi32>
    %ge3A_127 = arith.constant 0 : i32
    %ge3A_128 = vector.broadcast %ge3A_127 : i32 to vector<1x7680xi32>
    %ge3A_129 = arith.cmpi sge, %sub3A_126, %ge3A_128 : vector<1x7680xi32>
    %lt3A_130 = arith.constant 224 : i32
    %lt3A_131 = vector.broadcast %lt3A_130 : i32 to vector<1x7680xi32>
    %lt3A_132 = arith.cmpi slt, %sub3A_126, %lt3A_131 : vector<1x7680xi32>
    %and3A_133 = arith.andi %ge3A_129, %lt3A_132 : vector<1x7680xi1>
    %jit3A_134 = arith.constant -1.000000e+30 : f32
    %broadcast_in_dim3A_135 = vector.shape_cast %and3A_133 : vector<1x7680xi1> to vector<1x7680xi1>
    %broadcast_in_dim3A_136 = vector.broadcast %broadcast_in_dim3A_135 : vector<1x7680xi1> to vector<8x7680xi1>
    %broadcast_in_dim3A_137 = vector.broadcast %jit3A_134 : f32 to vector<8x7680xf32>
    %select_n3A_138 = arith.select %broadcast_in_dim3A_136, %select_n3A_123, %broadcast_in_dim3A_137 : vector<8x7680xi1>, vector<8x7680xf32>
    %max3A_139 = arith.maximumf %max3A, %select_n3A_138 : vector<8x7680xf32>
    %slice3A_140 = vector.extract_strided_slice %dot_general3A_23 {offsets = [0, 479], sizes = [8, 7680], strides = [1, 1]} : vector<8x8192xf32> to vector<8x7680xf32>
    %add3A_141 = arith.addf %slice3A_140, %dot_general3A_28 : vector<8x7680xf32>
    %ge3A_142 = arith.constant 0.000000e+00 : f32
    %ge3A_143 = vector.broadcast %ge3A_142 : f32 to vector<8x7680xf32>
    %ge3A_144 = arith.cmpf oge, %add3A_141, %ge3A_143 : vector<8x7680xf32>
    %mul3A_145 = arith.constant 2.000000e-01 : f32
    %mul3A_146 = vector.broadcast %mul3A_145 : f32 to vector<8x7680xf32>
    %mul3A_147 = arith.mulf %mul3A_146, %add3A_141 : vector<8x7680xf32>
    %select_n3A_148 = arith.select %ge3A_144, %add3A_141, %mul3A_147 : vector<8x7680xi1>, vector<8x7680xf32>
    %sub3A_149 = arith.constant -1 : i32
    %sub3A_150 = vector.broadcast %sub3A_149 : i32 to vector<1x7680xi32>
    %sub3A_151 = arith.subi %sub3A_59, %sub3A_150 : vector<1x7680xi32>
    %ge3A_152 = arith.constant 0 : i32
    %ge3A_153 = vector.broadcast %ge3A_152 : i32 to vector<1x7680xi32>
    %ge3A_154 = arith.cmpi sge, %sub3A_151, %ge3A_153 : vector<1x7680xi32>
    %lt3A_155 = arith.constant 224 : i32
    %lt3A_156 = vector.broadcast %lt3A_155 : i32 to vector<1x7680xi32>
    %lt3A_157 = arith.cmpi slt, %sub3A_151, %lt3A_156 : vector<1x7680xi32>
    %and3A_158 = arith.andi %ge3A_154, %lt3A_157 : vector<1x7680xi1>
    %sub3A_159 = arith.constant 1 : i32
    %sub3A_160 = vector.broadcast %sub3A_159 : i32 to vector<1x7680xi32>
    %sub3A_161 = arith.subi %select_n3A_79, %sub3A_160 : vector<1x7680xi32>
    %ge3A_162 = arith.constant 0 : i32
    %ge3A_163 = vector.broadcast %ge3A_162 : i32 to vector<1x7680xi32>
    %ge3A_164 = arith.cmpi sge, %sub3A_161, %ge3A_163 : vector<1x7680xi32>
    %lt3A_165 = arith.constant 224 : i32
    %lt3A_166 = vector.broadcast %lt3A_165 : i32 to vector<1x7680xi32>
    %lt3A_167 = arith.cmpi slt, %sub3A_161, %lt3A_166 : vector<1x7680xi32>
    %and3A_168 = arith.andi %ge3A_164, %lt3A_167 : vector<1x7680xi1>
    %and3A_169 = arith.andi %and3A_158, %and3A_168 : vector<1x7680xi1>
    %jit3A_170 = arith.constant -1.000000e+30 : f32
    %broadcast_in_dim3A_171 = vector.shape_cast %and3A_169 : vector<1x7680xi1> to vector<1x7680xi1>
    %broadcast_in_dim3A_172 = vector.broadcast %broadcast_in_dim3A_171 : vector<1x7680xi1> to vector<8x7680xi1>
    %broadcast_in_dim3A_173 = vector.broadcast %jit3A_170 : f32 to vector<8x7680xf32>
    %select_n3A_174 = arith.select %broadcast_in_dim3A_172, %select_n3A_148, %broadcast_in_dim3A_173 : vector<8x7680xi1>, vector<8x7680xf32>
    %max3A_175 = arith.maximumf %max3A_139, %select_n3A_174 : vector<8x7680xf32>
    %slice3A_176 = vector.extract_strided_slice %dot_general3A_23 {offsets = [0, 257], sizes = [8, 7680], strides = [1, 1]} : vector<8x8192xf32> to vector<8x7680xf32>
    %add3A_177 = arith.addf %slice3A_176, %dot_general3A_28 : vector<8x7680xf32>
    %ge3A_178 = arith.constant 0.000000e+00 : f32
    %ge3A_179 = vector.broadcast %ge3A_178 : f32 to vector<8x7680xf32>
    %ge3A_180 = arith.cmpf oge, %add3A_177, %ge3A_179 : vector<8x7680xf32>
    %mul3A_181 = arith.constant 2.000000e-01 : f32
    %mul3A_182 = vector.broadcast %mul3A_181 : f32 to vector<8x7680xf32>
    %mul3A_183 = arith.mulf %mul3A_182, %add3A_177 : vector<8x7680xf32>
    %select_n3A_184 = arith.select %ge3A_180, %add3A_177, %mul3A_183 : vector<8x7680xi1>, vector<8x7680xf32>
    %sub3A_185 = arith.constant -1 : i32
    %sub3A_186 = vector.broadcast %sub3A_185 : i32 to vector<1x7680xi32>
    %sub3A_187 = arith.subi %select_n3A_79, %sub3A_186 : vector<1x7680xi32>
    %ge3A_188 = arith.constant 0 : i32
    %ge3A_189 = vector.broadcast %ge3A_188 : i32 to vector<1x7680xi32>
    %ge3A_190 = arith.cmpi sge, %sub3A_187, %ge3A_189 : vector<1x7680xi32>
    %lt3A_191 = arith.constant 224 : i32
    %lt3A_192 = vector.broadcast %lt3A_191 : i32 to vector<1x7680xi32>
    %lt3A_193 = arith.cmpi slt, %sub3A_187, %lt3A_192 : vector<1x7680xi32>
    %and3A_194 = arith.andi %ge3A_190, %lt3A_193 : vector<1x7680xi1>
    %jit3A_195 = arith.constant -1.000000e+30 : f32
    %broadcast_in_dim3A_196 = vector.shape_cast %and3A_194 : vector<1x7680xi1> to vector<1x7680xi1>
    %broadcast_in_dim3A_197 = vector.broadcast %broadcast_in_dim3A_196 : vector<1x7680xi1> to vector<8x7680xi1>
    %broadcast_in_dim3A_198 = vector.broadcast %jit3A_195 : f32 to vector<8x7680xf32>
    %select_n3A_199 = arith.select %broadcast_in_dim3A_197, %select_n3A_184, %broadcast_in_dim3A_198 : vector<8x7680xi1>, vector<8x7680xf32>
    %max3A_200 = arith.maximumf %max3A_175, %select_n3A_199 : vector<8x7680xf32>
    %slice3A_201 = vector.extract_strided_slice %dot_general3A_23 {offsets = [0, 256], sizes = [8, 7680], strides = [1, 1]} : vector<8x8192xf32> to vector<8x7680xf32>
    %add3A_202 = arith.addf %slice3A_201, %dot_general3A_28 : vector<8x7680xf32>
    %ge3A_203 = arith.constant 0.000000e+00 : f32
    %ge3A_204 = vector.broadcast %ge3A_203 : f32 to vector<8x7680xf32>
    %ge3A_205 = arith.cmpf oge, %add3A_202, %ge3A_204 : vector<8x7680xf32>
    %mul3A_206 = arith.constant 2.000000e-01 : f32
    %mul3A_207 = vector.broadcast %mul3A_206 : f32 to vector<8x7680xf32>
    %mul3A_208 = arith.mulf %mul3A_207, %add3A_202 : vector<8x7680xf32>
    %select_n3A_209 = arith.select %ge3A_205, %add3A_202, %mul3A_208 : vector<8x7680xi1>, vector<8x7680xf32>
    %max3A_210 = arith.maximumf %max3A_200, %select_n3A_209 : vector<8x7680xf32>
    %slice3A_211 = vector.extract_strided_slice %dot_general3A_23 {offsets = [0, 255], sizes = [8, 7680], strides = [1, 1]} : vector<8x8192xf32> to vector<8x7680xf32>
    %add3A_212 = arith.addf %slice3A_211, %dot_general3A_28 : vector<8x7680xf32>
    %ge3A_213 = arith.constant 0.000000e+00 : f32
    %ge3A_214 = vector.broadcast %ge3A_213 : f32 to vector<8x7680xf32>
    %ge3A_215 = arith.cmpf oge, %add3A_212, %ge3A_214 : vector<8x7680xf32>
    %mul3A_216 = arith.constant 2.000000e-01 : f32
    %mul3A_217 = vector.broadcast %mul3A_216 : f32 to vector<8x7680xf32>
    %mul3A_218 = arith.mulf %mul3A_217, %add3A_212 : vector<8x7680xf32>
    %select_n3A_219 = arith.select %ge3A_215, %add3A_212, %mul3A_218 : vector<8x7680xi1>, vector<8x7680xf32>
    %sub3A_220 = arith.constant 1 : i32
    %sub3A_221 = vector.broadcast %sub3A_220 : i32 to vector<1x7680xi32>
    %sub3A_222 = arith.subi %select_n3A_79, %sub3A_221 : vector<1x7680xi32>
    %ge3A_223 = arith.constant 0 : i32
    %ge3A_224 = vector.broadcast %ge3A_223 : i32 to vector<1x7680xi32>
    %ge3A_225 = arith.cmpi sge, %sub3A_222, %ge3A_224 : vector<1x7680xi32>
    %lt3A_226 = arith.constant 224 : i32
    %lt3A_227 = vector.broadcast %lt3A_226 : i32 to vector<1x7680xi32>
    %lt3A_228 = arith.cmpi slt, %sub3A_222, %lt3A_227 : vector<1x7680xi32>
    %and3A_229 = arith.andi %ge3A_225, %lt3A_228 : vector<1x7680xi1>
    %jit3A_230 = arith.constant -1.000000e+30 : f32
    %broadcast_in_dim3A_231 = vector.shape_cast %and3A_229 : vector<1x7680xi1> to vector<1x7680xi1>
    %broadcast_in_dim3A_232 = vector.broadcast %broadcast_in_dim3A_231 : vector<1x7680xi1> to vector<8x7680xi1>
    %broadcast_in_dim3A_233 = vector.broadcast %jit3A_230 : f32 to vector<8x7680xf32>
    %select_n3A_234 = arith.select %broadcast_in_dim3A_232, %select_n3A_219, %broadcast_in_dim3A_233 : vector<8x7680xi1>, vector<8x7680xf32>
    %max3A_235 = arith.maximumf %max3A_210, %select_n3A_234 : vector<8x7680xf32>
    %slice3A_236 = vector.extract_strided_slice %dot_general3A_23 {offsets = [0, 33], sizes = [8, 7680], strides = [1, 1]} : vector<8x8192xf32> to vector<8x7680xf32>
    %add3A_237 = arith.addf %slice3A_236, %dot_general3A_28 : vector<8x7680xf32>
    %ge3A_238 = arith.constant 0.000000e+00 : f32
    %ge3A_239 = vector.broadcast %ge3A_238 : f32 to vector<8x7680xf32>
    %ge3A_240 = arith.cmpf oge, %add3A_237, %ge3A_239 : vector<8x7680xf32>
    %mul3A_241 = arith.constant 2.000000e-01 : f32
    %mul3A_242 = vector.broadcast %mul3A_241 : f32 to vector<8x7680xf32>
    %mul3A_243 = arith.mulf %mul3A_242, %add3A_237 : vector<8x7680xf32>
    %select_n3A_244 = arith.select %ge3A_240, %add3A_237, %mul3A_243 : vector<8x7680xi1>, vector<8x7680xf32>
    %sub3A_245 = arith.constant 1 : i32
    %sub3A_246 = vector.broadcast %sub3A_245 : i32 to vector<1x7680xi32>
    %sub3A_247 = arith.subi %sub3A_59, %sub3A_246 : vector<1x7680xi32>
    %ge3A_248 = arith.constant 0 : i32
    %ge3A_249 = vector.broadcast %ge3A_248 : i32 to vector<1x7680xi32>
    %ge3A_250 = arith.cmpi sge, %sub3A_247, %ge3A_249 : vector<1x7680xi32>
    %lt3A_251 = arith.constant 224 : i32
    %lt3A_252 = vector.broadcast %lt3A_251 : i32 to vector<1x7680xi32>
    %lt3A_253 = arith.cmpi slt, %sub3A_247, %lt3A_252 : vector<1x7680xi32>
    %and3A_254 = arith.andi %ge3A_250, %lt3A_253 : vector<1x7680xi1>
    %sub3A_255 = arith.constant -1 : i32
    %sub3A_256 = vector.broadcast %sub3A_255 : i32 to vector<1x7680xi32>
    %sub3A_257 = arith.subi %select_n3A_79, %sub3A_256 : vector<1x7680xi32>
    %ge3A_258 = arith.constant 0 : i32
    %ge3A_259 = vector.broadcast %ge3A_258 : i32 to vector<1x7680xi32>
    %ge3A_260 = arith.cmpi sge, %sub3A_257, %ge3A_259 : vector<1x7680xi32>
    %lt3A_261 = arith.constant 224 : i32
    %lt3A_262 = vector.broadcast %lt3A_261 : i32 to vector<1x7680xi32>
    %lt3A_263 = arith.cmpi slt, %sub3A_257, %lt3A_262 : vector<1x7680xi32>
    %and3A_264 = arith.andi %ge3A_260, %lt3A_263 : vector<1x7680xi1>
    %and3A_265 = arith.andi %and3A_254, %and3A_264 : vector<1x7680xi1>
    %jit3A_266 = arith.constant -1.000000e+30 : f32
    %broadcast_in_dim3A_267 = vector.shape_cast %and3A_265 : vector<1x7680xi1> to vector<1x7680xi1>
    %broadcast_in_dim3A_268 = vector.broadcast %broadcast_in_dim3A_267 : vector<1x7680xi1> to vector<8x7680xi1>
    %broadcast_in_dim3A_269 = vector.broadcast %jit3A_266 : f32 to vector<8x7680xf32>
    %select_n3A_270 = arith.select %broadcast_in_dim3A_268, %select_n3A_244, %broadcast_in_dim3A_269 : vector<8x7680xi1>, vector<8x7680xf32>
    %max3A_271 = arith.maximumf %max3A_235, %select_n3A_270 : vector<8x7680xf32>
    %slice3A_272 = vector.extract_strided_slice %dot_general3A_23 {offsets = [0, 32], sizes = [8, 7680], strides = [1, 1]} : vector<8x8192xf32> to vector<8x7680xf32>
    %add3A_273 = arith.addf %slice3A_272, %dot_general3A_28 : vector<8x7680xf32>
    %ge3A_274 = arith.constant 0.000000e+00 : f32
    %ge3A_275 = vector.broadcast %ge3A_274 : f32 to vector<8x7680xf32>
    %ge3A_276 = arith.cmpf oge, %add3A_273, %ge3A_275 : vector<8x7680xf32>
    %mul3A_277 = arith.constant 2.000000e-01 : f32
    %mul3A_278 = vector.broadcast %mul3A_277 : f32 to vector<8x7680xf32>
    %mul3A_279 = arith.mulf %mul3A_278, %add3A_273 : vector<8x7680xf32>
    %select_n3A_280 = arith.select %ge3A_276, %add3A_273, %mul3A_279 : vector<8x7680xi1>, vector<8x7680xf32>
    %sub3A_281 = arith.constant 1 : i32
    %sub3A_282 = vector.broadcast %sub3A_281 : i32 to vector<1x7680xi32>
    %sub3A_283 = arith.subi %sub3A_59, %sub3A_282 : vector<1x7680xi32>
    %ge3A_284 = arith.constant 0 : i32
    %ge3A_285 = vector.broadcast %ge3A_284 : i32 to vector<1x7680xi32>
    %ge3A_286 = arith.cmpi sge, %sub3A_283, %ge3A_285 : vector<1x7680xi32>
    %lt3A_287 = arith.constant 224 : i32
    %lt3A_288 = vector.broadcast %lt3A_287 : i32 to vector<1x7680xi32>
    %lt3A_289 = arith.cmpi slt, %sub3A_283, %lt3A_288 : vector<1x7680xi32>
    %and3A_290 = arith.andi %ge3A_286, %lt3A_289 : vector<1x7680xi1>
    %jit3A_291 = arith.constant -1.000000e+30 : f32
    %broadcast_in_dim3A_292 = vector.shape_cast %and3A_290 : vector<1x7680xi1> to vector<1x7680xi1>
    %broadcast_in_dim3A_293 = vector.broadcast %broadcast_in_dim3A_292 : vector<1x7680xi1> to vector<8x7680xi1>
    %broadcast_in_dim3A_294 = vector.broadcast %jit3A_291 : f32 to vector<8x7680xf32>
    %select_n3A_295 = arith.select %broadcast_in_dim3A_293, %select_n3A_280, %broadcast_in_dim3A_294 : vector<8x7680xi1>, vector<8x7680xf32>
    %max3A_296 = arith.maximumf %max3A_271, %select_n3A_295 : vector<8x7680xf32>
    %slice3A_297 = vector.extract_strided_slice %dot_general3A_23 {offsets = [0, 31], sizes = [8, 7680], strides = [1, 1]} : vector<8x8192xf32> to vector<8x7680xf32>
    %add3A_298 = arith.addf %slice3A_297, %dot_general3A_28 : vector<8x7680xf32>
    %ge3A_299 = arith.constant 0.000000e+00 : f32
    %ge3A_300 = vector.broadcast %ge3A_299 : f32 to vector<8x7680xf32>
    %ge3A_301 = arith.cmpf oge, %add3A_298, %ge3A_300 : vector<8x7680xf32>
    %mul3A_302 = arith.constant 2.000000e-01 : f32
    %mul3A_303 = vector.broadcast %mul3A_302 : f32 to vector<8x7680xf32>
    %mul3A_304 = arith.mulf %mul3A_303, %add3A_298 : vector<8x7680xf32>
    %select_n3A_305 = arith.select %ge3A_301, %add3A_298, %mul3A_304 : vector<8x7680xi1>, vector<8x7680xf32>
    %sub3A_306 = arith.constant 1 : i32
    %sub3A_307 = vector.broadcast %sub3A_306 : i32 to vector<1x7680xi32>
    %sub3A_308 = arith.subi %sub3A_59, %sub3A_307 : vector<1x7680xi32>
    %ge3A_309 = arith.constant 0 : i32
    %ge3A_310 = vector.broadcast %ge3A_309 : i32 to vector<1x7680xi32>
    %ge3A_311 = arith.cmpi sge, %sub3A_308, %ge3A_310 : vector<1x7680xi32>
    %lt3A_312 = arith.constant 224 : i32
    %lt3A_313 = vector.broadcast %lt3A_312 : i32 to vector<1x7680xi32>
    %lt3A_314 = arith.cmpi slt, %sub3A_308, %lt3A_313 : vector<1x7680xi32>
    %and3A_315 = arith.andi %ge3A_311, %lt3A_314 : vector<1x7680xi1>
    %sub3A_316 = arith.constant 1 : i32
    %sub3A_317 = vector.broadcast %sub3A_316 : i32 to vector<1x7680xi32>
    %sub3A_318 = arith.subi %select_n3A_79, %sub3A_317 : vector<1x7680xi32>
    %ge3A_319 = arith.constant 0 : i32
    %ge3A_320 = vector.broadcast %ge3A_319 : i32 to vector<1x7680xi32>
    %ge3A_321 = arith.cmpi sge, %sub3A_318, %ge3A_320 : vector<1x7680xi32>
    %lt3A_322 = arith.constant 224 : i32
    %lt3A_323 = vector.broadcast %lt3A_322 : i32 to vector<1x7680xi32>
    %lt3A_324 = arith.cmpi slt, %sub3A_318, %lt3A_323 : vector<1x7680xi32>
    %and3A_325 = arith.andi %ge3A_321, %lt3A_324 : vector<1x7680xi1>
    %and3A_326 = arith.andi %and3A_315, %and3A_325 : vector<1x7680xi1>
    %jit3A_327 = arith.constant -1.000000e+30 : f32
    %broadcast_in_dim3A_328 = vector.shape_cast %and3A_326 : vector<1x7680xi1> to vector<1x7680xi1>
    %broadcast_in_dim3A_329 = vector.broadcast %broadcast_in_dim3A_328 : vector<1x7680xi1> to vector<8x7680xi1>
    %broadcast_in_dim3A_330 = vector.broadcast %jit3A_327 : f32 to vector<8x7680xf32>
    %select_n3A_331 = arith.select %broadcast_in_dim3A_329, %select_n3A_305, %broadcast_in_dim3A_330 : vector<8x7680xi1>, vector<8x7680xf32>
    %max3A_332 = arith.maximumf %max3A_296, %select_n3A_331 : vector<8x7680xf32>
    %broadcast_in_dim3A_333 = arith.constant 0.000000e+00 : f32
    %broadcast_in_dim3A_334 = vector.broadcast %broadcast_in_dim3A_333 : f32 to vector<8x7680xf32>
    %sub3A_335 = arith.subf %select_n3A_114, %max3A_332 : vector<8x7680xf32>
    %exp3A = math.exp %sub3A_335 : vector<8x7680xf32>
    %add3A_336 = arith.addf %broadcast_in_dim3A_334, %exp3A : vector<8x7680xf32>
    %sub3A_337 = arith.subf %select_n3A_138, %max3A_332 : vector<8x7680xf32>
    %exp3A_338 = math.exp %sub3A_337 : vector<8x7680xf32>
    %add3A_339 = arith.addf %add3A_336, %exp3A_338 : vector<8x7680xf32>
    %sub3A_340 = arith.subf %select_n3A_174, %max3A_332 : vector<8x7680xf32>
    %exp3A_341 = math.exp %sub3A_340 : vector<8x7680xf32>
    %add3A_342 = arith.addf %add3A_339, %exp3A_341 : vector<8x7680xf32>
    %sub3A_343 = arith.subf %select_n3A_199, %max3A_332 : vector<8x7680xf32>
    %exp3A_344 = math.exp %sub3A_343 : vector<8x7680xf32>
    %add3A_345 = arith.addf %add3A_342, %exp3A_344 : vector<8x7680xf32>
    %sub3A_346 = arith.subf %select_n3A_209, %max3A_332 : vector<8x7680xf32>
    %exp3A_347 = math.exp %sub3A_346 : vector<8x7680xf32>
    %mul3A_348 = arith.constant 2.000000e+00 : f32
    %mul3A_349 = vector.broadcast %mul3A_348 : f32 to vector<8x7680xf32>
    %mul3A_350 = arith.mulf %exp3A_347, %mul3A_349 : vector<8x7680xf32>
    %add3A_351 = arith.addf %add3A_345, %mul3A_350 : vector<8x7680xf32>
    %sub3A_352 = arith.subf %select_n3A_234, %max3A_332 : vector<8x7680xf32>
    %exp3A_353 = math.exp %sub3A_352 : vector<8x7680xf32>
    %add3A_354 = arith.addf %add3A_351, %exp3A_353 : vector<8x7680xf32>
    %sub3A_355 = arith.subf %select_n3A_270, %max3A_332 : vector<8x7680xf32>
    %exp3A_356 = math.exp %sub3A_355 : vector<8x7680xf32>
    %add3A_357 = arith.addf %add3A_354, %exp3A_356 : vector<8x7680xf32>
    %sub3A_358 = arith.subf %select_n3A_295, %max3A_332 : vector<8x7680xf32>
    %exp3A_359 = math.exp %sub3A_358 : vector<8x7680xf32>
    %add3A_360 = arith.addf %add3A_357, %exp3A_359 : vector<8x7680xf32>
    %sub3A_361 = arith.subf %select_n3A_331, %max3A_332 : vector<8x7680xf32>
    %exp3A_362 = math.exp %sub3A_361 : vector<8x7680xf32>
    %add3A_363 = arith.addf %add3A_360, %exp3A_362 : vector<8x7680xf32>
    %add3A_364 = arith.constant 1.000000e-16 : f32
    %add3A_365 = vector.broadcast %add3A_364 : f32 to vector<8x7680xf32>
    %add3A_366 = arith.addf %add3A_363, %add3A_365 : vector<8x7680xf32>
    %div3A_367 = arith.constant 1.000000e+00 : f32
    %div3A_368 = vector.broadcast %div3A_367 : f32 to vector<8x7680xf32>
    %div3A_369 = arith.divf %div3A_368, %add3A_366 : vector<8x7680xf32>
    %convert_element_type3A_370 = arith.truncf %dot_general3A_18 : vector<96x8192xf32> to vector<96x8192xbf16>
    %reshape3A = vector.shape_cast %convert_element_type3A_370 : vector<96x8192xbf16> to vector<6x16x8192xbf16>
    %slice3A_371 = vector.extract_strided_slice %reshape3A {offsets = [0, 0, 608], sizes = [6, 16, 7424], strides = [1, 1, 1]} : vector<6x16x8192xbf16> to vector<6x16x7424xbf16>
    %slice3A_372 = vector.extract_strided_slice %reshape3A {offsets = [0, 0, 384], sizes = [6, 16, 7424], strides = [1, 1, 1]} : vector<6x16x8192xbf16> to vector<6x16x7424xbf16>
    %slice3A_373 = vector.extract_strided_slice %reshape3A {offsets = [0, 0, 160], sizes = [6, 16, 7424], strides = [1, 1, 1]} : vector<6x16x8192xbf16> to vector<6x16x7424xbf16>
    %mul3A_374 = arith.mulf %exp3A, %div3A_369 : vector<8x7680xf32>
    %slice3A_375 = vector.extract_strided_slice %mul3A_374 {offsets = [0, 127], sizes = [8, 7424], strides = [1, 1]} : vector<8x7680xf32> to vector<8x7424xf32>
    %convert_element_type3A_376 = arith.truncf %slice3A_375 : vector<8x7424xf32> to vector<8x7424xbf16>
    %concatenate3A_377 = tpu.concatenate %convert_element_type3A_376, %convert_element_type3A_376 in 0 : vector<8x7424xbf16>, vector<8x7424xbf16> -> vector<16x7424xbf16>
    %broadcast_in_dim3A_378 = vector.shape_cast %concatenate3A_377 : vector<16x7424xbf16> to vector<1x16x7424xbf16>
    %mul3A_379 = vector.broadcast %broadcast_in_dim3A_378 : vector<1x16x7424xbf16> to vector<6x16x7424xbf16>
    %mul3A_380 = arith.mulf %mul3A_379, %slice3A_371 : vector<6x16x7424xbf16>
    %mul3A_381 = arith.mulf %exp3A_344, %div3A_369 : vector<8x7680xf32>
    %slice3A_382 = vector.extract_strided_slice %mul3A_381 {offsets = [0, 127], sizes = [8, 7424], strides = [1, 1]} : vector<8x7680xf32> to vector<8x7424xf32>
    %convert_element_type3A_383 = arith.truncf %slice3A_382 : vector<8x7424xf32> to vector<8x7424xbf16>
    %concatenate3A_384 = tpu.concatenate %convert_element_type3A_383, %convert_element_type3A_383 in 0 : vector<8x7424xbf16>, vector<8x7424xbf16> -> vector<16x7424xbf16>
    %broadcast_in_dim3A_385 = vector.shape_cast %concatenate3A_384 : vector<16x7424xbf16> to vector<1x16x7424xbf16>
    %mul3A_386 = vector.broadcast %broadcast_in_dim3A_385 : vector<1x16x7424xbf16> to vector<6x16x7424xbf16>
    %mul3A_387 = arith.mulf %mul3A_386, %slice3A_372 : vector<6x16x7424xbf16>
    %add3A_388 = arith.addf %mul3A_380, %mul3A_387 : vector<6x16x7424xbf16>
    %mul3A_389 = arith.mulf %exp3A_356, %div3A_369 : vector<8x7680xf32>
    %slice3A_390 = vector.extract_strided_slice %mul3A_389 {offsets = [0, 127], sizes = [8, 7424], strides = [1, 1]} : vector<8x7680xf32> to vector<8x7424xf32>
    %convert_element_type3A_391 = arith.truncf %slice3A_390 : vector<8x7424xf32> to vector<8x7424xbf16>
    %concatenate3A_392 = tpu.concatenate %convert_element_type3A_391, %convert_element_type3A_391 in 0 : vector<8x7424xbf16>, vector<8x7424xbf16> -> vector<16x7424xbf16>
    %broadcast_in_dim3A_393 = vector.shape_cast %concatenate3A_392 : vector<16x7424xbf16> to vector<1x16x7424xbf16>
    %mul3A_394 = vector.broadcast %broadcast_in_dim3A_393 : vector<1x16x7424xbf16> to vector<6x16x7424xbf16>
    %mul3A_395 = arith.mulf %mul3A_394, %slice3A_373 : vector<6x16x7424xbf16>
    %add3A_396 = arith.addf %add3A_388, %mul3A_395 : vector<6x16x7424xbf16>
    %slice3A_397 = vector.extract_strided_slice %add3A_396 {offsets = [0, 0, 129], sizes = [6, 16, 7168], strides = [1, 1, 1]} : vector<6x16x7424xbf16> to vector<6x16x7168xbf16>
    %mul3A_398 = arith.mulf %exp3A_338, %div3A_369 : vector<8x7680xf32>
    %slice3A_399 = vector.extract_strided_slice %mul3A_398 {offsets = [0, 128], sizes = [8, 7424], strides = [1, 1]} : vector<8x7680xf32> to vector<8x7424xf32>
    %convert_element_type3A_400 = arith.truncf %slice3A_399 : vector<8x7424xf32> to vector<8x7424xbf16>
    %concatenate3A_401 = tpu.concatenate %convert_element_type3A_400, %convert_element_type3A_400 in 0 : vector<8x7424xbf16>, vector<8x7424xbf16> -> vector<16x7424xbf16>
    %broadcast_in_dim3A_402 = vector.shape_cast %concatenate3A_401 : vector<16x7424xbf16> to vector<1x16x7424xbf16>
    %mul3A_403 = vector.broadcast %broadcast_in_dim3A_402 : vector<1x16x7424xbf16> to vector<6x16x7424xbf16>
    %mul3A_404 = arith.mulf %mul3A_403, %slice3A_371 : vector<6x16x7424xbf16>
    %mul3A_405 = arith.mulf %mul3A_350, %div3A_369 : vector<8x7680xf32>
    %slice3A_406 = vector.extract_strided_slice %mul3A_405 {offsets = [0, 128], sizes = [8, 7424], strides = [1, 1]} : vector<8x7680xf32> to vector<8x7424xf32>
    %convert_element_type3A_407 = arith.truncf %slice3A_406 : vector<8x7424xf32> to vector<8x7424xbf16>
    %concatenate3A_408 = tpu.concatenate %convert_element_type3A_407, %convert_element_type3A_407 in 0 : vector<8x7424xbf16>, vector<8x7424xbf16> -> vector<16x7424xbf16>
    %broadcast_in_dim3A_409 = vector.shape_cast %concatenate3A_408 : vector<16x7424xbf16> to vector<1x16x7424xbf16>
    %mul3A_410 = vector.broadcast %broadcast_in_dim3A_409 : vector<1x16x7424xbf16> to vector<6x16x7424xbf16>
    %mul3A_411 = arith.mulf %mul3A_410, %slice3A_372 : vector<6x16x7424xbf16>
    %add3A_412 = arith.addf %mul3A_404, %mul3A_411 : vector<6x16x7424xbf16>
    %mul3A_413 = arith.mulf %exp3A_359, %div3A_369 : vector<8x7680xf32>
    %slice3A_414 = vector.extract_strided_slice %mul3A_413 {offsets = [0, 128], sizes = [8, 7424], strides = [1, 1]} : vector<8x7680xf32> to vector<8x7424xf32>
    %convert_element_type3A_415 = arith.truncf %slice3A_414 : vector<8x7424xf32> to vector<8x7424xbf16>
    %concatenate3A_416 = tpu.concatenate %convert_element_type3A_415, %convert_element_type3A_415 in 0 : vector<8x7424xbf16>, vector<8x7424xbf16> -> vector<16x7424xbf16>
    %broadcast_in_dim3A_417 = vector.shape_cast %concatenate3A_416 : vector<16x7424xbf16> to vector<1x16x7424xbf16>
    %mul3A_418 = vector.broadcast %broadcast_in_dim3A_417 : vector<1x16x7424xbf16> to vector<6x16x7424xbf16>
    %mul3A_419 = arith.mulf %mul3A_418, %slice3A_373 : vector<6x16x7424xbf16>
    %add3A_420 = arith.addf %add3A_412, %mul3A_419 : vector<6x16x7424xbf16>
    %slice3A_421 = vector.extract_strided_slice %add3A_420 {offsets = [0, 0, 128], sizes = [6, 16, 7168], strides = [1, 1, 1]} : vector<6x16x7424xbf16> to vector<6x16x7168xbf16>
    %add3A_422 = arith.addf %slice3A_397, %slice3A_421 : vector<6x16x7168xbf16>
    %mul3A_423 = arith.mulf %exp3A_341, %div3A_369 : vector<8x7680xf32>
    %slice3A_424 = vector.extract_strided_slice %mul3A_423 {offsets = [0, 129], sizes = [8, 7424], strides = [1, 1]} : vector<8x7680xf32> to vector<8x7424xf32>
    %convert_element_type3A_425 = arith.truncf %slice3A_424 : vector<8x7424xf32> to vector<8x7424xbf16>
    %concatenate3A_426 = tpu.concatenate %convert_element_type3A_425, %convert_element_type3A_425 in 0 : vector<8x7424xbf16>, vector<8x7424xbf16> -> vector<16x7424xbf16>
    %broadcast_in_dim3A_427 = vector.shape_cast %concatenate3A_426 : vector<16x7424xbf16> to vector<1x16x7424xbf16>
    %mul3A_428 = vector.broadcast %broadcast_in_dim3A_427 : vector<1x16x7424xbf16> to vector<6x16x7424xbf16>
    %mul3A_429 = arith.mulf %mul3A_428, %slice3A_371 : vector<6x16x7424xbf16>
    %mul3A_430 = arith.mulf %exp3A_353, %div3A_369 : vector<8x7680xf32>
    %slice3A_431 = vector.extract_strided_slice %mul3A_430 {offsets = [0, 129], sizes = [8, 7424], strides = [1, 1]} : vector<8x7680xf32> to vector<8x7424xf32>
    %convert_element_type3A_432 = arith.truncf %slice3A_431 : vector<8x7424xf32> to vector<8x7424xbf16>
    %concatenate3A_433 = tpu.concatenate %convert_element_type3A_432, %convert_element_type3A_432 in 0 : vector<8x7424xbf16>, vector<8x7424xbf16> -> vector<16x7424xbf16>
    %broadcast_in_dim3A_434 = vector.shape_cast %concatenate3A_433 : vector<16x7424xbf16> to vector<1x16x7424xbf16>
    %mul3A_435 = vector.broadcast %broadcast_in_dim3A_434 : vector<1x16x7424xbf16> to vector<6x16x7424xbf16>
    %mul3A_436 = arith.mulf %mul3A_435, %slice3A_372 : vector<6x16x7424xbf16>
    %add3A_437 = arith.addf %mul3A_429, %mul3A_436 : vector<6x16x7424xbf16>
    %mul3A_438 = arith.mulf %exp3A_362, %div3A_369 : vector<8x7680xf32>
    %slice3A_439 = vector.extract_strided_slice %mul3A_438 {offsets = [0, 129], sizes = [8, 7424], strides = [1, 1]} : vector<8x7680xf32> to vector<8x7424xf32>
    %convert_element_type3A_440 = arith.truncf %slice3A_439 : vector<8x7424xf32> to vector<8x7424xbf16>
    %concatenate3A_441 = tpu.concatenate %convert_element_type3A_440, %convert_element_type3A_440 in 0 : vector<8x7424xbf16>, vector<8x7424xbf16> -> vector<16x7424xbf16>
    %broadcast_in_dim3A_442 = vector.shape_cast %concatenate3A_441 : vector<16x7424xbf16> to vector<1x16x7424xbf16>
    %mul3A_443 = vector.broadcast %broadcast_in_dim3A_442 : vector<1x16x7424xbf16> to vector<6x16x7424xbf16>
    %mul3A_444 = arith.mulf %mul3A_443, %slice3A_373 : vector<6x16x7424xbf16>
    %add3A_445 = arith.addf %add3A_437, %mul3A_444 : vector<6x16x7424xbf16>
    %slice3A_446 = vector.extract_strided_slice %add3A_445 {offsets = [0, 0, 127], sizes = [6, 16, 7168], strides = [1, 1, 1]} : vector<6x16x7424xbf16> to vector<6x16x7168xbf16>
    %add3A_447 = arith.addf %add3A_422, %slice3A_446 : vector<6x16x7168xbf16>
    %reshape3A_448 = vector.shape_cast %add3A_447 : vector<6x16x7168xbf16> to vector<96x7168xbf16>
    %convert_element_type3A_449 = arith.extf %reshape3A_448 : vector<96x7168xbf16> to vector<96x7168xf32>
    %get3A_450 = arith.constant 0 : index
    %get3A_451 = arith.constant 0 : index
    %get3A_452 = vector.load %arg8[%get3A_450, %get3A_451] : memref<96x1xf32, #tpu.memory_space<vmem>>, vector<96x1xf32>
    %add3A_453 = vector.broadcast %get3A_452 : vector<96x1xf32> to vector<96x7168xf32>
    %add3A_454 = arith.addf %convert_element_type3A_449, %add3A_453 : vector<96x7168xf32>
    %gt3A = arith.constant 0.000000e+00 : f32
    %gt3A_455 = vector.broadcast %gt3A : f32 to vector<96x7168xf32>
    %gt3A_456 = arith.cmpf ogt, %add3A_454, %gt3A_455 : vector<96x7168xf32>
    %exp3A_457 = math.exp %add3A_454 : vector<96x7168xf32>
    %sub3A_458 = arith.constant 1.000000e+00 : f32
    %sub3A_459 = vector.broadcast %sub3A_458 : f32 to vector<96x7168xf32>
    %sub3A_460 = arith.subf %exp3A_457, %sub3A_459 : vector<96x7168xf32>
    %select_n3A_461 = arith.select %gt3A_456, %add3A_454, %sub3A_460 : vector<96x7168xi1>, vector<96x7168xf32>
    %reduce_sum3A = arith.constant dense<0.000000e+00> : vector<7168xf32>
    %reduce_sum3A_462 = vector.multi_reduction <add>, %select_n3A_461, %reduce_sum3A [0] : vector<96x7168xf32> to vector<7168xf32>
    %broadcast_in_dim3A_463 = vector.shape_cast %reduce_sum3A_462 : vector<7168xf32> to vector<1x7168xf32>
    %div3A_464 = arith.constant 9.600000e+01 : f32
    %div3A_465 = vector.broadcast %div3A_464 : f32 to vector<1x7168xf32>
    %div3A_466 = arith.divf %broadcast_in_dim3A_463, %div3A_465 : vector<1x7168xf32>
    %mul3A_467 = arith.mulf %select_n3A_461, %select_n3A_461 : vector<96x7168xf32>
    %reduce_sum3A_468 = arith.constant dense<0.000000e+00> : vector<7168xf32>
    %reduce_sum3A_469 = vector.multi_reduction <add>, %mul3A_467, %reduce_sum3A_468 [0] : vector<96x7168xf32> to vector<7168xf32>
    %broadcast_in_dim3A_470 = vector.shape_cast %reduce_sum3A_469 : vector<7168xf32> to vector<1x7168xf32>
    %div3A_471 = arith.constant 9.600000e+01 : f32
    %div3A_472 = vector.broadcast %div3A_471 : f32 to vector<1x7168xf32>
    %div3A_473 = arith.divf %broadcast_in_dim3A_470, %div3A_472 : vector<1x7168xf32>
    %mul3A_474 = arith.mulf %div3A_466, %div3A_466 : vector<1x7168xf32>
    %sub3A_475 = arith.subf %div3A_473, %mul3A_474 : vector<1x7168xf32>
    %add3A_476 = arith.constant 9.99999974E-6 : f32
    %add3A_477 = vector.broadcast %add3A_476 : f32 to vector<1x7168xf32>
    %add3A_478 = arith.addf %sub3A_475, %add3A_477 : vector<1x7168xf32>
    %rsqrt3A = math.rsqrt %add3A_478 : vector<1x7168xf32>
    %neg3A = arith.constant 0.000000e+00 : f32
    %neg3A_479 = vector.broadcast %neg3A : f32 to vector<1x7168xf32>
    %neg3A_480 = arith.subf %neg3A_479, %div3A_466 : vector<1x7168xf32>
    %mul3A_481 = arith.mulf %neg3A_480, %rsqrt3A : vector<1x7168xf32>
    %mul3A_482 = vector.broadcast %rsqrt3A : vector<1x7168xf32> to vector<96x7168xf32>
    %mul3A_483 = arith.mulf %select_n3A_461, %mul3A_482 : vector<96x7168xf32>
    %add3A_484 = vector.broadcast %mul3A_481 : vector<1x7168xf32> to vector<96x7168xf32>
    %add3A_485 = arith.addf %mul3A_483, %add3A_484 : vector<96x7168xf32>
    %get3A_486 = arith.constant 0 : index
    %get3A_487 = arith.constant 0 : index
    %get3A_488 = vector.load %arg9[%get3A_486, %get3A_487] : memref<96x1xf32, #tpu.memory_space<vmem>>, vector<96x1xf32>
    %mul3A_489 = vector.broadcast %get3A_488 : vector<96x1xf32> to vector<96x7168xf32>
    %mul3A_490 = arith.mulf %add3A_485, %mul3A_489 : vector<96x7168xf32>
    %get3A_491 = arith.constant 0 : index
    %get3A_492 = arith.constant 0 : index
    %get3A_493 = vector.load %arg10[%get3A_491, %get3A_492] : memref<96x1xf32, #tpu.memory_space<vmem>>, vector<96x1xf32>
    %add3A_494 = vector.broadcast %get3A_493 : vector<96x1xf32> to vector<96x7168xf32>
    %add3A_495 = arith.addf %mul3A_490, %add3A_494 : vector<96x7168xf32>
    %swap3A = arith.constant 0 : index
    %swap3A_496 = arith.constant 0 : index
    %swap3A_497 = arith.constant 0 : index
    %swap3A_498 = vector.load %arg11[%swap3A, %swap3A_496, %swap3A_497] : memref<1x96x7168xf32, #tpu.memory_space<vmem>>, vector<1x96x7168xf32>
    %swap3A_499 = vector.shape_cast %swap3A_498 : vector<1x96x7168xf32> to vector<96x7168xf32>
    %swap3A_500 = vector.shape_cast %add3A_495 : vector<96x7168xf32> to vector<1x96x7168xf32>
    tpu.vector_store %arg11[%swap3A, %swap3A_496, %swap3A_497], %swap3A_500 {strides = array<i32>} : memref<1x96x7168xf32, #tpu.memory_space<vmem>>, vector<1x96x7168xf32>,
    return
  }
  func.func @transform_0(%arg0: i32, %arg1: i32) -> (i32, i32, i32) {
    %mul3A = arith.constant 14 : i32
    %mul3A_0 = arith.muli %arg1, %mul3A : i32
    %sub3A = arith.constant 1 : i32
    %sub3A_1 = arith.subi %mul3A_0, %sub3A : i32
    %max3A = arith.constant 0 : i32
    %max3A_2 = arith.maxsi %sub3A_1, %max3A : i32
    %c0_i32 = arith.constant 0 : i32
    %c0_i32_3 = arith.constant 0 : i32
    return %arg0, %c0_i32, %max3A_2 : i32, i32, i32
  }
  func.func @transform_1(%arg0: i32, %arg1: i32) -> (i32, i32, i32) {
    %c0_i32 = arith.constant 0 : i32
    %c0_i32_0 = arith.constant 0 : i32
    return %arg0, %c0_i32, %arg1 : i32, i32, i32
  }
  func.func @transform_2(%arg0: i32, %arg1: i32) -> (i32, i32, i32) {
    %mul3A = arith.constant 14 : i32
    %mul3A_0 = arith.muli %arg1, %mul3A : i32
    %add3A = arith.constant 14 : i32
    %add3A_1 = arith.addi %mul3A_0, %add3A : i32
    %min3A = arith.constant 97 : i32
    %min3A_2 = arith.minsi %add3A_1, %min3A : i32
    %c0_i32 = arith.constant 0 : i32
    %c0_i32_3 = arith.constant 0 : i32
    return %arg0, %c0_i32, %min3A_2 : i32, i32, i32
  }
  func.func @transform_3(%arg0: i32, %arg1: i32) -> (i32, i32) {
    %c0_i32 = arith.constant 0 : i32
    %c0_i32_0 = arith.constant 0 : i32
    %c0_i32_1 = arith.constant 0 : i32
    return %c0_i32, %c0_i32_0 : i32, i32
  }
  func.func @transform_4(%arg0: i32, %arg1: i32) -> (i32, i32) {
    %c0_i32 = arith.constant 0 : i32
    %c0_i32_0 = arith.constant 0 : i32
    %c0_i32_1 = arith.constant 0 : i32
    return %c0_i32, %c0_i32_0 : i32, i32
  }
  func.func @transform_5(%arg0: i32, %arg1: i32) -> (i32, i32) {
    %c0_i32 = arith.constant 0 : i32
    %c0_i32_0 = arith.constant 0 : i32
    %c0_i32_1 = arith.constant 0 : i32
    return %c0_i32, %c0_i32_0 : i32, i32
  }
  func.func @transform_6(%arg0: i32, %arg1: i32) -> (i32, i32) {
    %c0_i32 = arith.constant 0 : i32
    %c0_i32_0 = arith.constant 0 : i32
    %c0_i32_1 = arith.constant 0 : i32
    return %c0_i32, %c0_i32_0 : i32, i32
  }
  func.func @transform_7(%arg0: i32, %arg1: i32) -> (i32, i32) {
    %c0_i32 = arith.constant 0 : i32
    %c0_i32_0 = arith.constant 0 : i32
    %c0_i32_1 = arith.constant 0 : i32
    return %c0_i32, %c0_i32_0 : i32, i32
  }
  func.func @transform_8(%arg0: i32, %arg1: i32) -> (i32, i32) {
    %c0_i32 = arith.constant 0 : i32
    %c0_i32_0 = arith.constant 0 : i32
    %c0_i32_1 = arith.constant 0 : i32
    return %c0_i32, %c0_i32_0 : i32, i32
  }
  func.func @transform_9(%arg0: i32, %arg1: i32) -> (i32, i32, i32) {
    %c0_i32 = arith.constant 0 : i32
    %c0_i32_0 = arith.constant 0 : i32
    return %arg0, %c0_i32, %arg1 : i32, i32, i32
  }
}

</mosaic_0001>

<sc_bundles>
// kernel: sparse-core-data-format-call.1.cloned.1.call-start
scs
called_computation.1_lowered:
.L_overlay_start_0:
0x0: {  	s2 =	sld [smem:$0x3FD9]  }
0x1: {  	s3 =	sld [smem:$0x3FFE];
	_ =	sdelay $0x1  }
0x2: {  	s1 =	srdreg.scid  }
0x3: {  	s0 =	sand.u32 $0x1, s1  }
0x4: {  	s18 =	sshll.u32 s0, $0xA;
	s2 =	sadd.s32 s3, s2  }
0x5: {  	s2 =	sadd.s32 s2, s18  }
0x6: {  	[smem:$0x3FC1] =	sst s2  }
0x7: {  	_ = 	snop  }
0x8: {  	s2 =	sld [smem:$0x3FD0];
	(tm) =	ssettm $0x1  }
0x9: {  	s19 =	sld [smem:$0x3FFB];
	_ =	sdelay $0x3  }
0xa: {  	_ =	strace s19  }
0xb: {  	s3 =	sld [smem:$0x3FFC];
	_ =	sdelay $0x3  }
0xc: {  	_ =	strace s3  }
0xd: {  	s3 =	sld [smem:$0x3FFD];
	_ =	sdelay $0x3  }
0xe: {  	_ =	strace s3  }
0xf: {  	_ =	strace $0x8FFFFFFF  }
0x10: {  	s20 =	sld [smem:$0x3FDB];
	_ =	sdelay $0x1  }
0x11: {  	s4 =	simm.s32 $_scs_section_size  }
0x12: {  	s5 =	simm.s32 $_size__tile_overlayer_lowered;
	s6 =	simm.s32 $_tile_overlayer_lowered  }
0x13: {  	s23 =	simm.s32 $0x1BFF;
	s22 =	sshll.u32 s6, $0x1;
	s3 =	sadd.s32 s4, s20  }
0x14: {  	s7 =	simm.s32 $0x0;
	s21 =	sshll.u32 s5, $0x1;
	s5 =	sadd.s32 s22, s3  }
0x15: {  	[timem:s7], [sflag:s23] =	dma.local [hbm:s5], s21  }
0x16: {  	_ =	swait.ge [sflag:s23], s21  }
0x17: {  	s4 =	ssub.s32 $0x0, s21;
	[sflag:s23] =	ssyncset.done $0x0  }
0x18: {  	[sflag:s23] =	ssyncadd.s32 s4;
	_ =	sdelay $0x1  }
0x19: {  	s24 =	simm.s32 $0x1B8B  }
0x1a: {  	_ =	swait.ge [sflag:s24], $0x1  }
0x1b: {  	[sflag:s24] =	ssyncset.done $0x0  }
0x1c: {  	s26 =	simm.s32 $0x1B8E;
	s25 =	sld [smem:$0x3FFE];
	[sflag:s24] =	ssyncadd.s32 $0xFFFFFFFF  }
0x1d: {  	s27 =	simm.s32 $execute0_lowered;
	[smem:$0x3FD2] =	sst s26  }
0x1e: {  	s5 =	sshll.u32 s27, $0x1;
	_ =	strace $0x80000046;
	[dreg:$0x1] =	wrdreg $0xFFFFFFFF  }
0x1f: {  	s28 =	simm.s32 $_size_execute0_lowered;
	s3 =	sadd.s32 s3, s5;
	[dreg:$0x0] =	wrdreg $0x0  }
0x20: {  	s5 =	sshll.u32 s28, $0x1;
	[dreg:$0x2] =	wrdreg s3  }
0x21: {  	[dreg:$0x3] =	wrdreg s5  }
0x22: {  	[dreg:$0x4] =	wrdreg $0xC0  }
0x23: {  	_ =	task [dreg:s7], $0x5FFFF  }
0x24: {  	[dreg:$0x1] =	wrdreg $0xFFFFFFFF  }
0x25: {  	[dreg:$0x0] =	wrdreg $0x60  }
0x26: {  	[dreg:$0x2] =	wrdreg s25  }
0x27: {  	[dreg:$0x3] =	wrdreg s2  }
0x28: {  	[dreg:$0x4] =	wrdreg $0x9  }
0x29: {  	_ =	task.clear_ibuf [dreg:s7], $0x5FFFF;
	_ =	strace $0x90000046  }
0x2a: {  	s29 =	simm.s32 $0x9;
	_ =	strace $0x80000048  }
0x2b: {  	_ =	swait.ge [sflag:s29], $0x1  }
0x2c: {  	[sflag:s29] =	ssyncadd.s32 $0xFFFFFFFF  }
0x2d: {  	_ =	strace $0x90000048  }
0x2e: {  	_ =	sfence  }
0x2f: {  	s30 =	sld [smem:$0x0];
	_ =	sdelay $0x2  }
0x30: {  	s31 =	sshll.u32 s1, $0xD;
	s1 =	sshrl.u32 s1, $0x2  }
0x31: {  	s3 =	sand.u32 $0x4000, s31;
	s1 =	sadd.s32 s1, s30  }
0x32: {  	s0 =	sor.u32 s3, s0;
	s1 =	sshll.u32 s1, $0x11  }
0x33: {  	s0 =	sor.u32 s1, s0  }
0x34: {  	s0 =	sadd.s32 $0x8F2B, s0  }
0x35: {  	[sflag:s0] =	ssyncadd.remote.s32 $0x1  }
0x36: {  	_ =	sfence.sel $0xFFFF  }
0x37: {  	[dreg:$0x0] =	wrdreg $0xFFFFFFFF;
	(pc) =	sbr.abs _section_cstart, $3  }
0x38: {  	[dreg:$0x1] =	wrdreg $0xFFFFFFFF  }
0x39: {  	_ =	task.clear_ibuf [dreg:s7], $0x2FFFF;
	_ =	strace $0x9FFFFFFF  }
0x3a: {  	(tm) =	ssettm $0x7FFFFFFF  }
0x3b: {  	_ =	shalt  }
tec
execute0_lowered:
.L_overlay_start_1:
0x0: {  	(tag) =	ssettag $0x1  }
0x1: {  	s0 =	srdreg.scid  }
0x2: {  	s1 =	sshll.u32 s0, $0x4  }
0x3: {  	s6 =	rddreg [dreg:$0x0];
	s0 =	stileid.u32;
	s1 =	sand.u32 $0x10, s1  }
0x4: {  	s4 =	simm.s32 $0x1;
	s7 =	simm.s32 $0x2;
	s1 =	sor.u32 s0, s1  }
0x5: {  	s16 =	simm.s32 $0x0;
	s8 =	simm.s32 $0x126000;
	s2 =	sshll.u32 s1, $0xA  }
0x6: {  	s14 =	simm.s32 $0x0;
	s15 =	simm.s32 $0x0;
	s1 =	ssub.s32 $0xC400, s2  }
0x7: {  	s17 =	simm.s32 $0x0;
	s9 =	simm.s32 $0x0;
	s3 =	sand.u32 $0x7C00, s1  }
0x8: {  	s11 =	simm.s32 $0x0;
	s5 =	sshrl.u32 s1, $0xF;
	p0 =	sne.s32 s3, $0x0  }
.Ltmp0:
0x9: {  	s1 =	rddreg [dreg:$0x2];
	s4 =	simm.s32 @!p0 $0x0;
	(pc) =	sbr.rel .LBB1_1-.Ltmp0, $4  }
0xa: {  	s12 =	simm.s32 $0x0;
	s3 =	rddreg [dreg:$0x1];
	s5 =	sadd.s32 s4, s5  }
0xb: {  	_ =	strace $0x80000047;
	s4 =	simm.s32 $0x1;
	s5 =	smul.u32 $0xC, s5  }
0xc: {  	s13 =	simm.s32 $0x0;
	s6 =	sadd.s32 $0xE00, s6;
	[sflag:s4] =	ssyncpa.u1 $0x0  }
0xd: {  	s10 =	smov.u32 s2;
	[sflag:s7] =	ssyncpa.u1 $0x0;
	s7 =	sor.u32 $0x1, s5  }
.LBB1_9:
0xe: {  	s18 =	sadd.s32 $0x8000, s10  }
0xf: {  	s14 =	sadd.s32 $0x8, s9;
	s19 =	smov.u32 s9;
	p1 =	sgt.s32 s18, $0xC3FF  }
0x10: {  	s19 =	smov.u32 @p1 s14  }
0x11: {  	s14 =	simm.s32 $0x1;
	p2 =	sgt.s32 s19, $0x7  }
0x12: {  	s14 =	simm.s32 @!p2 $0x0  }
0x13: {  	s20 =	sadd.s32 s14, s11  }
0x14: {  	s21 =	smov.u32 s12;
	s14 =	sadd.s32 $0x2, s12;
	p3 =	sgt.s32 s20, $0xB  }
0x15: {  	s21 =	smov.u32 @p3 s14  }
0x16: {  	p0 =	slt.u32 s13, $0x2;
	s18 =	smov.u32 @p1 s2;
	p1 =	sgt.s32 s21, $0x1  }
0x17: {  	s22 =	simm.s32 @!p0 $0x2;
	s21 =	simm.s32 @p1 $0x0;
	p1 =	sne.s32 s13, s7  }
.Ltmp1:
0x18: {  	s16 =	smov.u32 s10;
	_ =	swait.ge @!p0 [sflag:s22], $0x4000;
	(pc) =	sbr.rel @!p1 .LBB1_10-.Ltmp1, $4  }
0x19: {  	s15 =	smov.u32 s11;
	s17 =	smov.u32 s12;
	[sflag:s22] =	ssyncset.done @!p0 $0x0  }
0x1a: {  	s10 =	smov.u32 s18;
	s19 =	simm.s32 @p2 $0x0;
	[sflag:s22] =	ssyncadd.s32 @!p0 $0xFFFFC000  }
0x1b: {  	s20 =	simm.s32 @p3 $0x0;
	s14 =	smov.u32 s9;
	s9 =	smov.u32 s19  }
0x1c: {  	s11 =	smov.u32 s20;
	s13 =	sadd.s32 $0x1, s13;
	s12 =	smov.u32 s21  }
.LBB1_1:
0x1d: {  	p0 =	sge.u32 s13, s5  }
0x1e: {  	s18 =	sshrl.u32 @!p0 s9, $0x3  }
0x1f: {  	s19 =	sshll.u32 @!p0 s10, $0x3;
	s20 =	sshll.u32 @!p0 s9, $0x7;
	s18 =	smul.u32 @!p0 $0x62000, s18  }
0x20: {  	s21 =	sand.u32 @!p0 $0x7F, s10;
	s19 =	sand.u32 @!p0 $0xFFFFFC00, s19;
	s20 =	sand.u32 @!p0 $0x380, s20  }
0x21: {  	s18 =	sadd.s32 @!p0 s18, s19;
	s19 =	sor.u32 @!p0 s21, s20  }
0x22: {  	s19 =	sor.u32 @!p0 s18, s19  }
0x23: {  	s20 =	smulhi.u32 @!p0 $0x5397829D, s19  }
0x24: {  	s18 =	smulhi.u32 @!p0 $0x5397829D, s18  }
0x25: {  	s31 =	sadd.s32 $0xFFFFFFFF, s13;
	s22 =	smul.u32 @!p0 $0x93000, s12;
	s20 =	sshrl.u32 @!p0 s20, $0xE  }
0x26: {  	s21 =	sxor.u32 @!p0 $0xFFFFFFFF, s13;
	s18 =	sshrl.u32 @!p0 s18, $0xE;
	s20 =	smul.u32 @!p0 $0xC400, s20  }
0x27: {  	s23 =	smul.u32 @!p0 $0xC400, s11;
	s21 =	sshll.u32 @!p0 s21, $0xE;
	s18 =	sand.u32 @!p0 $0x7, s18  }
0x28: {  	s18 =	smul.u32 @!p0 $0x1880, s18;
	s19 =	ssub.s32 @!p0 s19, s20;
	s20 =	sadd.s32 @!p0 s6, s22  }
0x29: {  	s21 =	sand.u32 @!p0 $0x4000, s21;
	s20 =	sadd.s32 @!p0 s23, s20;
	s22 =	sand.u32 @!p0 $0x7, s19  }
0x2a: {  	s19 =	sshrl.u32 @!p0 s19, $0x3;
	s18 =	sadd.s32 @!p0 s18, s20;
	s20 =	sshll.u32 @!p0 s22, $0x12  }
0x2b: {  	s18 =	sadd.s32 @!p0 s19, s18;
	s19 =	sor.u32 @!p0 $0x2000, s20;
	s20 =	simm.s32 @!p0 $0x498000  }
0x2c: {  	[tilespmem:s21], [sflag:$0x1] =	stream.strided.gather @!p0 [hbm4b:s18+s19], $0x4000, s20, s19, $0x38;
	[tilespmem:$0x10000] =	vst v63  }
0x2d: {  	p0 =	sge.u32 s31, s5  }
.Ltmp2:
0x2e: {  	_ = 	snop;
	(pc) =	sbr.rel @p0 .LBB1_9-.Ltmp2, $1  }
0x2f: {  	_ =	sdelay $0x3  }
0x30: {  	_ =	swait.ge [sflag:s4], $0x4000;
	s18 =	sshll.u32 s13, $0xE  }
0x31: {  	s20 =	simm.s32 $0x0;
	[sflag:s4] =	ssyncset.done $0x0;
	s19 =	sand.u32 $0x4000, s18  }
0x32: {  	p1 =	por $0x1, $0x1;
	[sflag:s4] =	ssyncadd.s32 $0xFFFFC000;
	s18 =	sor.u32 $0x8000, s19  }
.LBB1_3:
0x33: {  	s21 =	sshll.u32 s20, $0x7  }
0x34: {  	s22 =	sshll.u32 s20, $0xD;
	p0 =	por p1, p1;
	s21 =	sand.u32 $0x3FFFFF80, s21  }
0x35: {  	s20 =	sadd.s32 s22, s19;
	v0 =	vmov s22;
	s22 =	simm.s32 $0x0;
	s21 =	sadd.s32 s21, s18  }
.LBB1_4:
0x36: {  	s25 =	sshll.u32 s22, $0xB;
	s26 =	sshll.u32 s22, $0x7  }
0x37: {  	s27 =	sadd.s32 s25, s21;
	v1 =	vmov s26  }
0x38: {  	s24 =	simm.s32 $0x0;
	p1 =	por $0x1, $0x1;
	s23 =	sadd.s32 s26, s19;
	v3 =	vmov s25;
	v2 =	vmov s27  }
.LBB1_5:
0x39: {  	s25 =	sshll.u32 s24, $0x3  }
0x3a: {  	s25 =	sand.u32 $0x3FFFFFF8, s25  }
0x3b: {  	s26 =	sadd.s32 s25, s20  }
0x3c: {  	s25 =	sadd.s32 s25, s23;
	v4 =	vld.idx.msk [tilespmem:v1+s26+$0x0 ss:$0x1], $0xffff  }
0x3d: {  	v5 =	vld.idx.msk [tilespmem:v0+s25+$0x10 ss:$0x1], $0xffff  }
0x3e: {  	v6 =	vld.idx.msk [tilespmem:v0+s25+$0x20 ss:$0x1], $0xffff  }
0x3f: {  	s31 =	sshll.u32 s24, $0x1;
	v7 =	vld.idx.msk [tilespmem:v0+s25+$0x30 ss:$0x1], $0xffff  }
0x40: {  	s24 =	sand.u32 $0x3FFFFFFE, s31;
	v8 =	vld.idx.msk [tilespmem:v0+s25+$0x40 ss:$0x1], $0xffff  }
0x41: {  	[tilespmem:v2+s24+$0x0 ss:$0x1] =	vst.idx.msk $0xffff, v4;
	s24 =	sadd.s32 s24, s21;
	v4 =	vld.idx.msk [tilespmem:v0+s25+$0x50 ss:$0x1], $0xffff  }
0x42: {  	[tilespmem:v3+s24+$0x10 ss:$0x1] =	vst.idx.msk $0xffff, v5;
	v5 =	vld.idx.msk [tilespmem:v0+s25+$0x60 ss:$0x1], $0xffff  }
0x43: {  	v49 =	vld.idx.msk [tilespmem:v0+s25+$0x70 ss:$0x1], $0xffff;
	[tilespmem:v3+s24+$0x20 ss:$0x1] =	vst.idx.msk $0xffff, v6  }
0x44: {  	v50 =	vld.idx.msk [tilespmem:v1+s26+$0x400 ss:$0x1], $0xffff;
	[tilespmem:v3+s24+$0x30 ss:$0x1] =	vst.idx.msk $0xffff, v7  }
0x45: {  	v51 =	vld.idx.msk [tilespmem:v0+s25+$0x410 ss:$0x1], $0xffff;
	[tilespmem:v3+s24+$0x40 ss:$0x1] =	vst.idx.msk $0xffff, v8  }
0x46: {  	[tilespmem:v3+s24+$0x50 ss:$0x1] =	vst.idx.msk $0xffff, v4;
	v4 =	vld.idx.msk [tilespmem:v0+s25+$0x420 ss:$0x1], $0xffff  }
0x47: {  	[tilespmem:v3+s24+$0x60 ss:$0x1] =	vst.idx.msk $0xffff, v5;
	v5 =	vld.idx.msk [tilespmem:v0+s25+$0x430 ss:$0x1], $0xffff  }
0x48: {  	v52 =	vld.idx.msk [tilespmem:v0+s25+$0x440 ss:$0x1], $0xffff;
	[tilespmem:v3+s24+$0x70 ss:$0x1] =	vst.idx.msk $0xffff, v49  }
0x49: {  	v53 =	vld.idx.msk [tilespmem:v0+s25+$0x450 ss:$0x1], $0xffff;
	[tilespmem:v3+s24+$0x100 ss:$0x1] =	vst.idx.msk $0xffff, v50  }
0x4a: {  	v54 =	vld.idx.msk [tilespmem:v0+s25+$0x460 ss:$0x1], $0xffff;
	[tilespmem:v3+s24+$0x110 ss:$0x1] =	vst.idx.msk $0xffff, v51  }
0x4b: {  	[tilespmem:v3+s24+$0x120 ss:$0x1] =	vst.idx.msk $0xffff, v4;
	v4 =	vld.idx.msk [tilespmem:v0+s25+$0x470 ss:$0x1], $0xffff  }
0x4c: {  	[tilespmem:v3+s24+$0x130 ss:$0x1] =	vst.idx.msk $0xffff, v5;
	v5 =	vld.idx.msk [tilespmem:v1+s26+$0x800 ss:$0x1], $0xffff  }
0x4d: {  	v55 =	vld.idx.msk [tilespmem:v0+s25+$0x810 ss:$0x1], $0xffff;
	[tilespmem:v3+s24+$0x140 ss:$0x1] =	vst.idx.msk $0xffff, v52  }
0x4e: {  	v56 =	vld.idx.msk [tilespmem:v0+s25+$0x820 ss:$0x1], $0xffff;
	[tilespmem:v3+s24+$0x150 ss:$0x1] =	vst.idx.msk $0xffff, v53  }
0x4f: {  	v57 =	vld.idx.msk [tilespmem:v0+s25+$0x830 ss:$0x1], $0xffff;
	[tilespmem:v3+s24+$0x160 ss:$0x1] =	vst.idx.msk $0xffff, v54  }
0x50: {  	[tilespmem:v3+s24+$0x170 ss:$0x1] =	vst.idx.msk $0xffff, v4;
	v4 =	vld.idx.msk [tilespmem:v0+s25+$0x840 ss:$0x1], $0xffff  }
0x51: {  	[tilespmem:v3+s24+$0x200 ss:$0x1] =	vst.idx.msk $0xffff, v5;
	v5 =	vld.idx.msk [tilespmem:v0+s25+$0x850 ss:$0x1], $0xffff  }
0x52: {  	v58 =	vld.idx.msk [tilespmem:v0+s25+$0x860 ss:$0x1], $0xffff;
	[tilespmem:v3+s24+$0x210 ss:$0x1] =	vst.idx.msk $0xffff, v55  }
0x53: {  	v59 =	vld.idx.msk [tilespmem:v0+s25+$0x870 ss:$0x1], $0xffff;
	[tilespmem:v3+s24+$0x220 ss:$0x1] =	vst.idx.msk $0xffff, v56  }
0x54: {  	v60 =	vld.idx.msk [tilespmem:v1+s26+$0xC00 ss:$0x1], $0xffff;
	[tilespmem:v3+s24+$0x230 ss:$0x1] =	vst.idx.msk $0xffff, v57  }
0x55: {  	[tilespmem:v3+s24+$0x240 ss:$0x1] =	vst.idx.msk $0xffff, v4;
	v4 =	vld.idx.msk [tilespmem:v0+s25+$0xC10 ss:$0x1], $0xffff  }
0x56: {  	[tilespmem:v3+s24+$0x250 ss:$0x1] =	vst.idx.msk $0xffff, v5;
	v5 =	vld.idx.msk [tilespmem:v0+s25+$0xC20 ss:$0x1], $0xffff  }
0x57: {  	v61 =	vld.idx.msk [tilespmem:v0+s25+$0xC30 ss:$0x1], $0xffff;
	[tilespmem:v3+s24+$0x260 ss:$0x1] =	vst.idx.msk $0xffff, v58  }
0x58: {  	v62 =	vld.idx.msk [tilespmem:v0+s25+$0xC40 ss:$0x1], $0xffff;
	[tilespmem:v3+s24+$0x270 ss:$0x1] =	vst.idx.msk $0xffff, v59  }
0x59: {  	v63 =	vld.idx.msk [tilespmem:v0+s25+$0xC50 ss:$0x1], $0xffff;
	[tilespmem:v3+s24+$0x300 ss:$0x1] =	vst.idx.msk $0xffff, v60  }
0x5a: {  	[tilespmem:v3+s24+$0x310 ss:$0x1] =	vst.idx.msk $0xffff, v4;
	v4 =	vld.idx.msk [tilespmem:v0+s25+$0xC60 ss:$0x1], $0xffff  }
0x5b: {  	p2 =	por p1, p1;
	[tilespmem:v3+s24+$0x320 ss:$0x1] =	vst.idx.msk $0xffff, v5;
	v5 =	vld.idx.msk [tilespmem:v0+s25+$0xC70 ss:$0x1], $0xffff  }
.Ltmp3:
0x5c: {  	[tilespmem:v3+s24+$0x330 ss:$0x1] =	vst.idx.msk $0xffff, v61;
	(pc) =	sbr.rel @p2 .LBB1_5-.Ltmp3, $4  }
0x5d: {  	[tilespmem:v3+s24+$0x340 ss:$0x1] =	vst.idx.msk $0xffff, v62  }
0x5e: {  	[tilespmem:v3+s24+$0x350 ss:$0x1] =	vst.idx.msk $0xffff, v63  }
0x5f: {  	[tilespmem:v3+s24+$0x360 ss:$0x1] =	vst.idx.msk $0xffff, v4  }
0x60: {  	p1 =	por $0x0, $0x0;
	[tilespmem:v3+s24+$0x370 ss:$0x1] =	vst.idx.msk $0xffff, v5;
	s24 =	simm.s32 $0x200  }
0x61: {  	s22 =	sadd.s32 $0x1, s22  }
0x62: {  	p1 =	sne.s32 s22, $0x8  }
.Ltmp4:
0x63: {  	_ = 	snop;
	(pc) =	sbr.rel @p1 .LBB1_4-.Ltmp4, $1  }
0x64: {  	_ =	sdelay $0x3  }
.Ltmp5:
0x65: {  	(pc) =	sbr.rel @p0 .LBB1_3-.Ltmp5, $2  }
0x66: {  	_ =	sdelay $0x2  }
0x67: {  	s20 =	simm.s32 $0x1;
	p1 =	por $0x0, $0x0  }
0x68: {  	s19 =	sshrl.u32 s17, $0x1  }
0x69: {  	s20 =	sshll.u32 s16, $0x1;
	s27 =	sshll.u32 s17, $0x7;
	s19 =	smul.u32 $0x18800, s19  }
0x6a: {  	s28 =	sand.u32 $0x7F, s16;
	s20 =	sand.u32 $0xFFFFFF00, s20;
	s17 =	sand.u32 $0x80, s27  }
0x6b: {  	s16 =	sor.u32 s17, s28;
	s19 =	sadd.s32 s19, s20  }
0x6c: {  	s16 =	sor.u32 s19, s16;
	s19 =	smulhi.u32 $0x5397829D, s19  }
0x6d: {  	s29 =	smulhi.u32 $0x5397829D, s16;
	_ =	sdelay $0x1  }
0x6e: {  	s15 =	smul.u32 $0x3100, s15;
	s19 =	sshrl.u32 s19, $0xE;
	s17 =	sshrl.u32 s29, $0xE  }
0x6f: {  	s30 =	sand.u32 $0x1, s19;
	s17 =	smul.u32 $0xC400, s17  }
0x70: {  	s14 =	smul.u32 $0x24C00, s14;
	s15 =	sadd.s32 s3, s15;
	p0 =	seq.s32 s30, $0x1  }
.Ltmp6:
0x71: {  	s16 =	ssub.s32 s16, s17;
	s17 =	simm.s32 $0x1880;
	(pc) =	sbr.rel .LBB1_9-.Ltmp6, $4  }
0x72: {  	s14 =	sadd.s32 s14, s15;
	s17 =	simm.s32 @!p0 $0x0;
	s31 =	sand.u32 $0x7, s16  }
0x73: {  	s16 =	sshrl.u32 s16, $0x3;
	s14 =	sadd.s32 s17, s14;
	s15 =	sshll.u32 s31, $0x12  }
0x74: {  	s14 =	sadd.s32 s16, s14;
	s15 =	sor.u32 $0x800, s15  }
0x75: {  	[hbm4b:s14+s15] =	stream.strided.scatter [tilespmem:s18], [sflag:$0x2], $0x4000, s8, s15, $0x38;
	[tilespmem:$0x10000] =	vst v63  }
.LBB1_10:
0x76: {  	_ =	sfence.sel $0x180000  }
0x77: {  	s2 =	simm.s32 $0x1;
	[bflag:$0x0] =	sbarrier.arrive $0xFFFF  }
0x78: {  	s31 =	simm.s32 $0x2;
	[sflag:s2] =	ssyncpa.u1 $0x1  }
0x79: {  	[sflag:s31] =	ssyncpa.u1 $0x1  }
0x7a: {  	p0 =	sne.s32 s0, $0x0;
	_ =	strace $0x90000047  }
0x7b: {  	s0 =	sadd.s32 @!p0 $0x100000, s1;
	[bflag:$0x2] =	sbarrier.arrive $0xFFFF  }
0x7c: {  	[sflag:s0] =	ssyncadd.tile.s32 @!p0 $0x1;
	_ =	shalt  }
.Lfunc_end1:
_tile_overlayer_lowered:
.L_overlay_start_2:
0x7d: {  	(tag) =	ssettag $0x2  }
0x7e: {  	s0 =	rddreg [dreg:$0x0];
	s2 =	stileid.u32  }
0x7f: {  	s1 =	rddreg [dreg:$0x1];
	p0 =	sne.s32 s2, $0x0  }
0x80: {  	s3 =	rddreg [dreg:$0x2];
	[bflag:$0x3] =	sbarrier.arrive $0xFFFF;
	s2 =	simm.s32 @!p0 $0x1C01  }
0x81: {  	[timem:s3], [sflag:s2] =	dma.local @!p0 [hbm:s0], s1  }
0x82: {  	s0 =	simm.s32 @!p0 $0x1  }
0x83: {  	_ =	swait.ge @!p0 [sflag:s0], s1  }
0x84: {  	s1 =	ssub.s32 @!p0 $0x0, s1;
	[sflag:s0] =	ssyncset.done @!p0 $0x0  }
0x85: {  	[sflag:s0] =	ssyncadd.s32 @!p0 s1  }
0x86: {  	[bflag:$0x3] =	sbarrier.arrive $0xFFFF  }
0x87: {  	_ =	shalt  }

// kernel: sparse-core-data-format-call.cloned.1.call-start
scs
called_computation_lowered:
.L_overlay_start_0:
0x0: {  	s2 =	sld [smem:$0x3FD9]  }
0x1: {  	s3 =	sld [smem:$0x3FFE];
	_ =	sdelay $0x1  }
0x2: {  	s1 =	srdreg.scid  }
0x3: {  	s0 =	sand.u32 $0x1, s1  }
0x4: {  	s18 =	sshll.u32 s0, $0xA;
	s2 =	sadd.s32 s3, s2  }
0x5: {  	s2 =	sadd.s32 s2, s18  }
0x6: {  	[smem:$0x3FC1] =	sst s2  }
0x7: {  	_ = 	snop  }
0x8: {  	s2 =	sld [smem:$0x3FD0];
	(tm) =	ssettm $0x1  }
0x9: {  	s19 =	sld [smem:$0x3FFB];
	_ =	sdelay $0x3  }
0xa: {  	_ =	strace s19  }
0xb: {  	s3 =	sld [smem:$0x3FFC];
	_ =	sdelay $0x3  }
0xc: {  	_ =	strace s3  }
0xd: {  	s3 =	sld [smem:$0x3FFD];
	_ =	sdelay $0x3  }
0xe: {  	_ =	strace s3  }
0xf: {  	_ =	strace $0x8FFFFFFF  }
0x10: {  	s20 =	sld [smem:$0x3FDB];
	_ =	sdelay $0x1  }
0x11: {  	s4 =	simm.s32 $_scs_section_size  }
0x12: {  	s5 =	simm.s32 $_size__tile_overlayer_lowered;
	s6 =	simm.s32 $_tile_overlayer_lowered  }
0x13: {  	s23 =	simm.s32 $0x1BFF;
	s22 =	sshll.u32 s6, $0x1;
	s3 =	sadd.s32 s4, s20  }
0x14: {  	s7 =	simm.s32 $0x0;
	s21 =	sshll.u32 s5, $0x1;
	s5 =	sadd.s32 s22, s3  }
0x15: {  	[timem:s7], [sflag:s23] =	dma.local [hbm:s5], s21  }
0x16: {  	_ =	swait.ge [sflag:s23], s21  }
0x17: {  	s4 =	ssub.s32 $0x0, s21;
	[sflag:s23] =	ssyncset.done $0x0  }
0x18: {  	[sflag:s23] =	ssyncadd.s32 s4;
	_ =	sdelay $0x1  }
0x19: {  	s24 =	simm.s32 $0x1B8B  }
0x1a: {  	_ =	swait.ge [sflag:s24], $0x1  }
0x1b: {  	[sflag:s24] =	ssyncset.done $0x0  }
0x1c: {  	s26 =	simm.s32 $0x1B8E;
	s25 =	sld [smem:$0x3FFE];
	[sflag:s24] =	ssyncadd.s32 $0xFFFFFFFF  }
0x1d: {  	s27 =	simm.s32 $execute0_lowered;
	[smem:$0x3FD2] =	sst s26  }
0x1e: {  	s5 =	sshll.u32 s27, $0x1;
	_ =	strace $0x80000049;
	[dreg:$0x1] =	wrdreg $0xFFFFFFFF  }
0x1f: {  	s28 =	simm.s32 $_size_execute0_lowered;
	s3 =	sadd.s32 s3, s5;
	[dreg:$0x0] =	wrdreg $0x0  }
0x20: {  	s5 =	sshll.u32 s28, $0x1;
	[dreg:$0x2] =	wrdreg s3  }
0x21: {  	[dreg:$0x3] =	wrdreg s5  }
0x22: {  	[dreg:$0x4] =	wrdreg $0xC0  }
0x23: {  	_ =	task [dreg:s7], $0x5FFFF  }
0x24: {  	[dreg:$0x1] =	wrdreg $0xFFFFFFFF  }
0x25: {  	[dreg:$0x0] =	wrdreg $0x60  }
0x26: {  	[dreg:$0x2] =	wrdreg s25  }
0x27: {  	[dreg:$0x3] =	wrdreg s2  }
0x28: {  	[dreg:$0x4] =	wrdreg $0x9  }
0x29: {  	_ =	task.clear_ibuf [dreg:s7], $0x5FFFF;
	_ =	strace $0x90000049  }
0x2a: {  	s29 =	simm.s32 $0x9;
	_ =	strace $0x8000004B  }
0x2b: {  	_ =	swait.ge [sflag:s29], $0x1  }
0x2c: {  	[sflag:s29] =	ssyncadd.s32 $0xFFFFFFFF  }
0x2d: {  	_ =	strace $0x9000004B  }
0x2e: {  	_ =	sfence  }
0x2f: {  	s30 =	sld [smem:$0x0];
	_ =	sdelay $0x2  }
0x30: {  	s31 =	sshll.u32 s1, $0xD;
	s1 =	sshrl.u32 s1, $0x2  }
0x31: {  	s3 =	sand.u32 $0x4000, s31;
	s1 =	sadd.s32 s1, s30  }
0x32: {  	s0 =	sor.u32 s3, s0;
	s1 =	sshll.u32 s1, $0x11  }
0x33: {  	s0 =	sor.u32 s1, s0  }
0x34: {  	s0 =	sadd.s32 $0x8F2B, s0  }
0x35: {  	[sflag:s0] =	ssyncadd.remote.s32 $0x1  }
0x36: {  	_ =	sfence.sel $0xFFFF  }
0x37: {  	[dreg:$0x0] =	wrdreg $0xFFFFFFFF;
	(pc) =	sbr.abs _section_cstart, $3  }
0x38: {  	[dreg:$0x1] =	wrdreg $0xFFFFFFFF  }
0x39: {  	_ =	task.clear_ibuf [dreg:s7], $0x2FFFF;
	_ =	strace $0x9FFFFFFF  }
0x3a: {  	(tm) =	ssettm $0x7FFFFFFF  }
0x3b: {  	_ =	shalt  }
tec
execute0_lowered:
.L_overlay_start_1:
0x0: {  	(tag) =	ssettag $0x1  }
0x1: {  	s0 =	rddreg [dreg:$0x0]  }
0x2: {  	s1 =	srdreg.scid;
	_ =	strace $0x8000004A;
	s30 =	stileid.u32  }
0x3: {  	s2 =	simm.s32 $0x1;
	s31 =	simm.s32 $0x2;
	s12 =	simm.s32 $0x0  }
.Ltmp0:
0x4: {  	s3 =	simm.s32 $0x0;
	s14 =	simm.s32 $0x0;
	(pc) =	sbr.rel .LBB1_1-.Ltmp0, $4  }
0x5: {  	s9 =	simm.s32 $0x0;
	s10 =	simm.s32 $0x0;
	s29 =	sshll.u32 s1, $0x4  }
0x6: {  	s8 =	simm.s32 $0x0;
	s5 =	sadd.s32 $0xE00, s0;
	s0 =	sand.u32 $0x10, s29  }
0x7: {  	[sflag:s2] =	ssyncpa.u1 $0x0;
	[dreg:$0xd] =	wrdreg s5;
	s6 =	sor.u32 s30, s0  }
0x8: {  	[sflag:s31] =	ssyncpa.u1 $0x0;
	s11 =	smov.u32 s6;
	[dreg:$0xe] =	wrdreg s6  }
.LBB1_7:
0x9: {  	s0 =	sadd.s32 $0x20, s9  }
0xa: {  	s1 =	sadd.s32 $0x2, s10;
	s2 =	smov.u32 s10;
	p1 =	sgt.s32 s0, $0xDF  }
0xb: {  	s2 =	smov.u32 @p1 s1  }
0xc: {  	s3 =	sadd.s32 $0x20, s11;
	s4 =	smov.u32 s11;
	p2 =	sgt.s32 s2, $0x1  }
0xd: {  	p0 =	slt.u32 s8, $0x2;
	s4 =	smov.u32 @p2 s3  }
0xe: {  	s8 =	sadd.s32 $0x1, s8;
	s0 =	simm.s32 @p1 $0x0;
	p1 =	sgt.s32 s4, $0x5F  }
0xf: {  	s4 =	smov.u32 @p1 s6;
	p1 =	sne.s32 s8, $0x17  }
.Ltmp1:
0x10: {  	_ = 	snop;
	(pc) =	sbr.rel @!p1 .LBB1_8-.Ltmp1, $4  }
0x11: {  	s12 =	smov.u32 s9;
	s1 =	simm.s32 @!p0 $0x2  }
0x12: {  	s14 =	smov.u32 s11;
	_ =	swait.ge @!p0 [sflag:s1], $0x4000;
	s9 =	smov.u32 s0  }
0x13: {  	s2 =	simm.s32 @p2 $0x0;
	[sflag:s1] =	ssyncset.done @!p0 $0x0;
	s3 =	smov.u32 s10  }
0x14: {  	[sflag:s1] =	ssyncadd.s32 @!p0 $0xFFFFC000;
	s10 =	smov.u32 s2;
	s11 =	smov.u32 s4  }
.LBB1_1:
0x15: {  	p0 =	sgt.u32 s8, $0x14  }
0x16: {  	s0 =	sshll.u32 @!p0 s9, $0x8;
	s1 =	sshll.u32 @!p0 s9, $0x7  }
0x17: {  	s0 =	sand.u32 @!p0 $0xFFFFF800, s0;
	s1 =	sand.u32 @!p0 $0x300, s1  }
0x18: {  	s0 =	sor.u32 @!p0 s1, s0  }
0x19: {  	s0 =	sshrl.u32 @!p0 s0, $0x8  }
0x1a: {  	s1 =	smulhi.u32 @!p0 $0x124924A, s0  }
0x1b: {  	s2 =	smul.u32 @!p0 $0x3800, s11  }
0x1c: {  	s1 =	smul.u32 @!p0 $0xE0, s1  }
0x1d: {  	s15 =	sxor.u32 @!p0 $0xFFFFFFFF, s8;
	s16 =	smul.u32 @!p0 $0x1C00, s10  }
0x1e: {  	s2 =	sadd.s32 @!p0 s5, s2;
	s0 =	ssub.s32 @!p0 s0, s1;
	s1 =	sshll.u32 @!p0 s9, $0x4  }
0x1f: {  	s15 =	sshll.u32 @!p0 s15, $0xE;
	s2 =	sadd.s32 @!p0 s16, s2;
	s1 =	sand.u32 @!p0 $0x10, s1  }
0x20: {  	s15 =	sand.u32 @!p0 $0x4000, s15;
	s0 =	sshll.u32 @!p0 s0, $0x5;
	s1 =	sadd.s32 @!p0 s1, s2  }
0x21: {  	s2 =	simm.s32 @!p0 $0xE000;
	s0 =	sadd.s32 @!p0 s0, s1;
	s1 =	simm.s32 @!p0 $0x2000  }
0x22: {  	[tilespmem:s15], [sflag:$0x1] =	stream.strided.gather @!p0 [hbm4b:s0+s1], $0x4000, s2, s1, $0x38;
	[tilespmem:$0x10000] =	vst v63  }
0x23: {  	p0 =	seq.s32 s8, $0x0  }
0x24: {  	p1 =	seq.s32 @!p0 s8, $0x16  }
0x25: {  	p0 =	por p0, p1  }
.Ltmp2:
0x26: {  	_ = 	snop;
	(pc) =	sbr.rel @p0 .LBB1_7-.Ltmp2, $1  }
0x27: {  	_ =	sdelay $0x3  }
0x28: {  	s0 =	sshll.u32 s8, $0xE  }
0x29: {  	s0 =	sand.u32 $0x4000, s0  }
0x2a: {  	s31 =	sor.u32 $0x8000, s0  }
0x2b: {  	[dreg:$0xf] =	wrdreg s3;
	s1 =	simm.s32 $0x1;
	v0 =	vmov s0;
	v1 =	vmov s31  }
0x2c: {  	_ =	swait.ge [sflag:s1], $0x4000  }
0x2d: {  	s16 =	simm.s32 $0x0;
	p1 =	por $0x1, $0x1;
	[sflag:s1] =	ssyncset.done $0x0  }
0x2e: {  	s17 =	simm.s32 $0x0;
	[sflag:s1] =	ssyncadd.s32 $0xFFFFC000;
	[dreg:$0x10] =	wrdreg s31  }
.LBB1_3:
0x2f: {  	s0 =	sor.u32 $0x10, s17  }
0x30: {  	s26 =	sor.u32 $0x20, s17;
	[dreg:$0x3] =	wrdreg s0  }
0x31: {  	s31 =	sor.u32 $0x30, s17;
	[dreg:$0x4] =	wrdreg s26  }
0x32: {  	s1 =	sor.u32 $0x40, s17;
	[dreg:$0x5] =	wrdreg s31  }
0x33: {  	s2 =	sor.u32 $0x50, s17;
	[dreg:$0x6] =	wrdreg s1  }
0x34: {  	s3 =	sor.u32 $0x60, s17;
	[dreg:$0x7] =	wrdreg s2  }
0x35: {  	s4 =	sor.u32 $0x70, s17;
	s5 =	sor.u32 $0x410, s17;
	[dreg:$0x8] =	wrdreg s3  }
0x36: {  	s6 =	sor.u32 $0x420, s17;
	s7 =	sor.u32 $0x430, s17;
	[dreg:$0x9] =	wrdreg s4  }
0x37: {  	s18 =	sor.u32 $0x440, s17;
	s13 =	sand.u32 $0x1800, s16;
	[dreg:$0xa] =	wrdreg s5  }
0x38: {  	s23 =	sand.u32 $0x80, s16;
	[dreg:$0xb] =	wrdreg s6;
	s1 =	sand.u32 $0x380, s16  }
0x39: {  	[dreg:$0xc] =	wrdreg s7;
	s19 =	sor.u32 s17, s23;
	s0 =	sor.u32 s1, s13  }
0x3a: {  	s2 =	rddreg [dreg:$0x4];
	s25 =	sand.u32 $0x1B00, s0;
	s22 =	sor.u32 s18, s0  }
0x3b: {  	s20 =	sor.u32 $0x460, s17;
	s15 =	rddreg [dreg:$0xc];
	s24 =	sor.u32 s25, s19;
	v2 =	vld.idx.msk [tilespmem:v0+s22+$0x0 ss:$0x1], $0xffff  }
0x3c: {  	s26 =	rddreg [dreg:$0x6];
	s6 =	sor.u32 s20, s0;
	s19 =	sor.u32 $0x450, s17;
	v3 =	vld.idx.msk [tilespmem:v0+s24+$0x0 ss:$0x1], $0xffff  }
0x3d: {  	s21 =	sor.u32 $0x470, s17;
	s27 =	rddreg [dreg:$0x8];
	v5 =	vld.idx.msk [tilespmem:v0+s6+$0x0 ss:$0x1], $0xffff;
	s30 =	sor.u32 s19, s0  }
0x3e: {  	s28 =	rddreg [dreg:$0xb];
	s4 =	sor.u32 s21, s0;
	v4 =	vld.idx.msk [tilespmem:v0+s30+$0x0 ss:$0x1], $0xffff  }
0x3f: {  	s31 =	rddreg [dreg:$0x5];
	s3 =	sor.u32 s15, s0;
	v6 =	vld.idx.msk [tilespmem:v0+s4+$0x0 ss:$0x1], $0xffff  }
0x40: {  	s7 =	rddreg [dreg:$0x9];
	v7 =	vld.idx.msk [tilespmem:v0+s3+$0x0 ss:$0x1], $0xffff;
	s5 =	sor.u32 $0x400, s24;
	[tilespmem:v1+s22+$0x0 ss:$0x1] =	vst.idx.msk $0xffff, v2  }
0x41: {  	s29 =	sor.u32 s28, s0;
	v8 =	vld.idx.msk [tilespmem:v0+s5+$0x0 ss:$0x1], $0xffff;
	s22 =	sor.u32 s2, s23;
	[tilespmem:v1+s24+$0x0 ss:$0x1] =	vst.idx.msk $0xffff, v3  }
0x42: {  	v2 =	vld.idx.msk [tilespmem:v0+s29+$0x0 ss:$0x1], $0xffff;
	s15 =	sor.u32 s25, s22;
	s24 =	sor.u32 s27, s23;
	s2 =	rddreg [dreg:$0xa]  }
0x43: {  	s13 =	sor.u32 s26, s23;
	s1 =	rddreg [dreg:$0x7];
	v9 =	vld.idx.msk [tilespmem:v0+s15+$0x0 ss:$0x1], $0xffff;
	[tilespmem:v1+s30+$0x0 ss:$0x1] =	vst.idx.msk $0xffff, v4;
	s28 =	sor.u32 s25, s24  }
0x44: {  	s24 =	sor.u32 s25, s13;
	s26 =	rddreg [dreg:$0x3];
	v3 =	vld.idx.msk [tilespmem:v0+s28+$0x0 ss:$0x1], $0xffff;
	[tilespmem:v1+s6+$0x0 ss:$0x1] =	vst.idx.msk $0xffff, v5  }
0x45: {  	p0 =	por p1, p1;
	s13 =	sor.u32 s7, s23;
	v4 =	vld.idx.msk [tilespmem:v0+s24+$0x0 ss:$0x1], $0xffff;
	s30 =	sor.u32 s2, s0;
	[tilespmem:v1+s4+$0x0 ss:$0x1] =	vst.idx.msk $0xffff, v6  }
0x46: {  	s22 =	simm.s32 $0x100;
	s7 =	sor.u32 s1, s23;
	s1 =	sor.u32 s25, s13;
	[tilespmem:v1+s3+$0x0 ss:$0x1] =	vst.idx.msk $0xffff, v7;
	v5 =	vld.idx.msk [tilespmem:v0+s30+$0x0 ss:$0x1], $0xffff  }
0x47: {  	s13 =	sor.u32 s31, s23;
	[tilespmem:v1+s5+$0x0 ss:$0x1] =	vst.idx.msk $0xffff, v8;
	s31 =	sor.u32 s26, s23;
	s2 =	sor.u32 s25, s7;
	v6 =	vld.idx.msk [tilespmem:v0+s1+$0x0 ss:$0x1], $0xffff  }
0x48: {  	s27 =	sor.u32 s25, s13;
	s23 =	simm.s32 $0x80;
	s0 =	sor.u32 s25, s31;
	v7 =	vld.idx.msk [tilespmem:v0+s2+$0x0 ss:$0x1], $0xffff;
	[tilespmem:v1+s15+$0x0 ss:$0x1] =	vst.idx.msk $0xffff, v9  }
.LBB1_4:
0x49: {  	s3 =	sand.u32 $0x1800, s22;
	s4 =	sand.u32 $0x380, s23  }
0x4a: {  	v8 =	vld.idx.msk [tilespmem:v0+s27+$0x0 ss:$0x1], $0xffff;
	s25 =	sand.u32 $0x80, s23;
	s31 =	sor.u32 s4, s3;
	[tilespmem:v1+s29+$0x0 ss:$0x1] =	vst.idx.msk $0xffff, v2  }
0x4b: {  	s7 =	sor.u32 s17, s25;
	s26 =	sand.u32 $0x1B00, s31;
	s6 =	sor.u32 s18, s31;
	v2 =	vld.idx.msk [tilespmem:v0+s0+$0x0 ss:$0x1], $0xffff;
	[tilespmem:v1+s28+$0x0 ss:$0x1] =	vst.idx.msk $0xffff, v3  }
0x4c: {  	s13 =	rddreg [dreg:$0xc];
	s4 =	sor.u32 s26, s7;
	[tilespmem:v1+s24+$0x0 ss:$0x1] =	vst.idx.msk $0xffff, v4;
	v3 =	vld.idx.msk [tilespmem:v0+s6+$0x0 ss:$0x1], $0xffff  }
0x4d: {  	s5 =	rddreg [dreg:$0x4];
	s3 =	sor.u32 s13, s31;
	s13 =	sor.u32 s20, s31;
	[tilespmem:v1+s30+$0x0 ss:$0x1] =	vst.idx.msk $0xffff, v5;
	v4 =	vld.idx.msk [tilespmem:v0+s4+$0x0 ss:$0x1], $0xffff  }
0x4e: {  	s5 =	sor.u32 s5, s25;
	s7 =	sor.u32 s21, s31;
	[tilespmem:v1+s1+$0x0 ss:$0x1] =	vst.idx.msk $0xffff, v6;
	v6 =	vld.idx.msk [tilespmem:v0+s13+$0x0 ss:$0x1], $0xffff  }
0x4f: {  	s5 =	sor.u32 s26, s5;
	[tilespmem:v1+s2+$0x0 ss:$0x1] =	vst.idx.msk $0xffff, v7;
	v7 =	vld.idx.msk [tilespmem:v0+s7+$0x0 ss:$0x1], $0xffff  }
0x50: {  	s30 =	sor.u32 s19, s31;
	s1 =	rddreg [dreg:$0x6];
	v10 =	vld.idx.msk [tilespmem:v0+s5+$0x0 ss:$0x1], $0xffff;
	[tilespmem:v1+s27+$0x0 ss:$0x1] =	vst.idx.msk $0xffff, v8  }
0x51: {  	p1 =	sne.s32 s22, $0x1F00;
	s2 =	rddreg [dreg:$0x8];
	v5 =	vld.idx.msk [tilespmem:v0+s30+$0x0 ss:$0x1], $0xffff;
	[tilespmem:v1+s0+$0x0 ss:$0x1] =	vst.idx.msk $0xffff, v2  }
0x52: {  	s15 =	sor.u32 $0x400, s4;
	s24 =	rddreg [dreg:$0xb];
	s1 =	sor.u32 s1, s25;
	v8 =	vld.idx.msk [tilespmem:v0+s3+$0x0 ss:$0x1], $0xffff;
	[tilespmem:v1+s6+$0x0 ss:$0x1] =	vst.idx.msk $0xffff, v3  }
0x53: {  	s2 =	sor.u32 s2, s25;
	s27 =	rddreg [dreg:$0x9];
	v9 =	vld.idx.msk [tilespmem:v0+s15+$0x0 ss:$0x1], $0xffff;
	s29 =	sor.u32 s24, s31;
	[tilespmem:v1+s4+$0x0 ss:$0x1] =	vst.idx.msk $0xffff, v4  }
0x54: {  	s24 =	sor.u32 s26, s1;
	s1 =	rddreg [dreg:$0x7];
	s28 =	sor.u32 s26, s2;
	v2 =	vld.idx.msk [tilespmem:v0+s29+$0x0 ss:$0x1], $0xffff;
	[tilespmem:v1+s13+$0x0 ss:$0x1] =	vst.idx.msk $0xffff, v6  }
.Ltmp3:
0x55: {  	s22 =	sadd.s32 $0x100, s22;
	s4 =	rddreg [dreg:$0xa];
	v3 =	vld.idx.msk [tilespmem:v0+s28+$0x0 ss:$0x1], $0xffff;
	[tilespmem:v1+s7+$0x0 ss:$0x1] =	vst.idx.msk $0xffff, v7;
	(pc) =	sbr.rel @p1 .LBB1_4-.Ltmp3, $4  }
0x56: {  	s2 =	rddreg [dreg:$0x3];
	s6 =	sor.u32 s27, s25;
	v4 =	vld.idx.msk [tilespmem:v0+s24+$0x0 ss:$0x1], $0xffff;
	[tilespmem:v1+s30+$0x0 ss:$0x1] =	vst.idx.msk $0xffff, v5;
	s30 =	sor.u32 s4, s31  }
0x57: {  	s0 =	rddreg [dreg:$0x5];
	s13 =	sor.u32 s1, s25;
	[tilespmem:v1+s5+$0x0 ss:$0x1] =	vst.idx.msk $0xffff, v10;
	s1 =	sor.u32 s26, s6;
	v5 =	vld.idx.msk [tilespmem:v0+s30+$0x0 ss:$0x1], $0xffff  }
0x58: {  	s0 =	sor.u32 s0, s25;
	[tilespmem:v1+s3+$0x0 ss:$0x1] =	vst.idx.msk $0xffff, v8;
	s31 =	sor.u32 s2, s25;
	s2 =	sor.u32 s26, s13;
	v6 =	vld.idx.msk [tilespmem:v0+s1+$0x0 ss:$0x1], $0xffff  }
0x59: {  	s23 =	sadd.s32 $0x80, s23;
	[tilespmem:v1+s15+$0x0 ss:$0x1] =	vst.idx.msk $0xffff, v9;
	s27 =	sor.u32 s26, s0;
	s0 =	sor.u32 s26, s31;
	v7 =	vld.idx.msk [tilespmem:v0+s2+$0x0 ss:$0x1], $0xffff  }
0x5a: {  	_ =	sdelay $0x3  }
0x5b: {  	[tilespmem:v1+s29+$0x0 ss:$0x1] =	vst.idx.msk $0xffff, v2  }
0x5c: {  	v2 =	vld.idx.msk [tilespmem:v0+s27+$0x0 ss:$0x1], $0xffff;
	[tilespmem:v1+s28+$0x0 ss:$0x1] =	vst.idx.msk $0xffff, v3  }
0x5d: {  	v3 =	vld.idx.msk [tilespmem:v0+s0+$0x0 ss:$0x1], $0xffff;
	[tilespmem:v1+s24+$0x0 ss:$0x1] =	vst.idx.msk $0xffff, v4  }
.Ltmp4:
0x5e: {  	[tilespmem:v1+s30+$0x0 ss:$0x1] =	vst.idx.msk $0xffff, v5;
	(pc) =	sbr.rel @p0 .LBB1_3-.Ltmp4, $4  }
0x5f: {  	[tilespmem:v1+s1+$0x0 ss:$0x1] =	vst.idx.msk $0xffff, v6  }
0x60: {  	[tilespmem:v1+s2+$0x0 ss:$0x1] =	vst.idx.msk $0xffff, v7  }
0x61: {  	[tilespmem:v1+s27+$0x0 ss:$0x1] =	vst.idx.msk $0xffff, v2  }
0x62: {  	s17 =	simm.s32 $0x2000;
	p1 =	por $0x0, $0x0;
	[tilespmem:v1+s0+$0x0 ss:$0x1] =	vst.idx.msk $0xffff, v3  }
0x63: {  	s0 =	sshll.u32 s12, $0x8;
	s1 =	sshll.u32 s12, $0x7  }
0x64: {  	s0 =	sand.u32 $0xFFFFF800, s0;
	s1 =	sand.u32 $0x300, s1  }
0x65: {  	s0 =	sor.u32 s1, s0  }
0x66: {  	s2 =	smul.u32 $0x1C00, s14;
	s0 =	sshrl.u32 s0, $0x8  }
0x67: {  	s3 =	rddreg [dreg:$0xf];
	s27 =	smulhi.u32 $0x124924A, s0  }
0x68: {  	s4 =	sshll.u32 s12, $0x4;
	s3 =	smul.u32 $0xA8000, s3  }
0x69: {  	s5 =	rddreg [dreg:$0x1];
	s29 =	simm.s32 $0x2000;
	s1 =	smul.u32 $0xE0, s27  }
.Ltmp5:
0x6a: {  	s31 =	rddreg [dreg:$0x10];
	s2 =	sadd.s32 s5, s2;
	(pc) =	sbr.rel .LBB1_7-.Ltmp5, $4  }
0x6b: {  	s28 =	sand.u32 $0x10, s4;
	s2 =	sadd.s32 s3, s2;
	s0 =	ssub.s32 s0, s1  }
0x6c: {  	s6 =	rddreg [dreg:$0xe];
	s1 =	sadd.s32 s28, s2;
	s0 =	sshll.u32 s0, $0x5  }
0x6d: {  	s30 =	simm.s32 $0x540000;
	s5 =	rddreg [dreg:$0xd];
	s0 =	sadd.s32 s0, s1  }
0x6e: {  	[hbm4b:s0+s29] =	stream.strided.scatter [tilespmem:s31], [sflag:$0x2], $0x4000, s30, s29, $0x38;
	[tilespmem:$0x10000] =	vst v63  }
.LBB1_8:
0x6f: {  	_ =	sfence.sel $0x180000  }
0x70: {  	s0 =	simm.s32 $0x1;
	[bflag:$0x0] =	sbarrier.arrive $0xFFFF  }
0x71: {  	s30 =	simm.s32 $0x2;
	[sflag:s0] =	ssyncpa.u1 $0x1  }
0x72: {  	[sflag:s30] =	ssyncpa.u1 $0x1  }
0x73: {  	_ =	strace $0x9000004A  }
0x74: {  	s31 =	stileid.u32;
	[bflag:$0x2] =	sbarrier.arrive $0xFFFF  }
0x75: {  	p0 =	sne.s32 s31, $0x0;
	s0 =	rddreg [dreg:$0x2]  }
0x76: {  	s0 =	sadd.s32 @!p0 $0x100000, s0  }
0x77: {  	[sflag:s0] =	ssyncadd.tile.s32 @!p0 $0x1;
	_ =	shalt  }
.Lfunc_end1:
_tile_overlayer_lowered:
.L_overlay_start_2:
0x78: {  	(tag) =	ssettag $0x2  }
0x79: {  	s0 =	rddreg [dreg:$0x0];
	s2 =	stileid.u32  }
0x7a: {  	s1 =	rddreg [dreg:$0x1];
	p0 =	sne.s32 s2, $0x0  }
0x7b: {  	s3 =	rddreg [dreg:$0x2];
	[bflag:$0x3] =	sbarrier.arrive $0xFFFF;
	s2 =	simm.s32 @!p0 $0x1C01  }
0x7c: {  	[timem:s3], [sflag:s2] =	dma.local @!p0 [hbm:s0], s1  }
0x7d: {  	s0 =	simm.s32 @!p0 $0x1  }
0x7e: {  	_ =	swait.ge @!p0 [sflag:s0], s1  }
0x7f: {  	s1 =	ssub.s32 @!p0 $0x0, s1;
	[sflag:s0] =	ssyncset.done @!p0 $0x0  }
0x80: {  	[sflag:s0] =	ssyncadd.s32 @!p0 s1  }
0x81: {  	[bflag:$0x3] =	sbarrier.arrive $0xFFFF  }
0x82: {  	_ =	shalt  }

</sc_bundles>
